<compile_context>
chip_gen: v7x
topology: tpu7x:2x2x1
jax: 0.10.2.dev20260603
libtpu: 0.0.44.dev20260713+nightly
codegen_flags: <defaults>
</compile_context>

<pallas_src>
import functools

import jax
import jax.numpy as jnp
from jax import lax
from jax.experimental import pallas as pl
from jax.experimental.pallas import tpu as pltpu
from jax.experimental.pallas import tpu_sc as plsc

_info = plsc.get_sparse_core_info()
_NC = _info.num_cores
_NS = _info.num_subcores
_NW = _NC * _NS


@jax.jit
def _sc_embed(table, idx_cm):
    D = table.shape[1]
    assert D == 64 and idx_cm.shape[0] == 409600
    n_units = 1600
    upw = n_units // _NW

    mesh = plsc.VectorSubcoreMesh(core_axis_name="c", subcore_axis_name="s")

    @functools.partial(
        pl.kernel,
        out_type=jax.ShapeDtypeStruct((1024, 400, 64), jnp.float32),
        mesh=mesh,
        scratch_types=(
            [pltpu.VMEM((256,), jnp.int32) for _ in range(2)]
            + [pltpu.VMEM((256, 64), jnp.float32) for _ in range(2)]
            + [pltpu.SemaphoreType.DMA for _ in range(4)]
        ),
        compiler_params=pltpu.CompilerParams(needs_layout_passes=False),
    )
    def body(table_hbm, idx_hbm, out3, *bufs):
        idxv = bufs[0:2]
        rows = bufs[2:4]
        gsem = bufs[4:6]
        wsem = bufs[6:8]
        wid = lax.axis_index("s") * _NC + lax.axis_index("c")
        base_u = wid * upw

        def stage(k, p):
            u = base_u + k
            cell = u // 4
            bb = u % 4
            pltpu.sync_copy(idx_hbm.at[pl.ds(cell * 1024 + bb * 256, 256)],
                            idxv[p])
            @pl.when(k >= 2)
            def _():
                pltpu.make_async_copy(
                    rows[p], out3.at[pl.ds(0, 256), 0], wsem[p]).wait()

            def grp(g, carry):
                vec = idxv[p][pl.ds(g * 16, 16)]
                for j in range(16):
                    v = vec[j]
                    pltpu.async_copy(
                        table_hbm.at[pl.ds(v, 1), :],
                        rows[p].at[pl.ds(g * 16 + j, 1), :], gsem[p])
                return carry
            lax.fori_loop(0, 16, grp, 0)

        def finish(k, p):
            u = base_u + k
            cell = u // 4
            bb = u % 4
            pltpu.make_async_copy(
                table_hbm.at[pl.ds(0, 256), :], rows[p], gsem[p]).wait()
            pltpu.async_copy(rows[p], out3.at[pl.ds(bb * 256, 256), cell],
                             wsem[p])

        stage(0, 0)

        def pair(k2, carry):
            k = k2 * 2
            stage(k + 1, 1)
            finish(k, 0)

            @pl.when(k2 < upw // 2 - 1)
            def _():
                stage(k + 2, 0)
            finish(k + 1, 1)
            return carry

        lax.fori_loop(0, upw // 2, pair, 0)
        for p in range(2):
            pltpu.make_async_copy(
                rows[p], out3.at[pl.ds(0, 256), 0], wsem[p]).wait()

    return body(table, idx_cm)


def kernel(x, table):
    assert x.ndim == 4, f"TokenEmbedding expects 4D [B,H,W,C], got {x.shape}"
    vocab, dim = table.shape
    if x.shape[-1] == vocab:
        idx = jnp.argmax(x, axis=-1).astype(jnp.int32)
    else:
        idx = x.astype(jnp.int32)
    B, H, W = x.shape[0], x.shape[1], x.shape[2]
    idx_cm = idx.reshape(B, H * W).T.reshape(-1)
    out3 = _sc_embed(table, idx_cm)
    out = out3.reshape(B, H, W, dim)
    return out

# --- scband reference (transcript-rebuilt; emitter-appended) ---
"""Pipeline reference for scband-token-embedding-90056874263263 (READ-ONLY COPY).

The authoritative reference and input builder live on the scoring server;
editing this copy changes nothing except your own understanding.
"""

import jax, jax.numpy as jnp
import numpy as np

VOCAB = 1000000
DIM = 64

def setup_inputs(seed: int = 0) -> dict:
    key = jax.random.key(seed)
    k1, k2 = jax.random.split(key)
    x = jax.random.randint(k1, (1024, 20, 20, 1), 0, VOCAB, dtype=jnp.int32)
    table = jax.random.normal(k2, (VOCAB, DIM), dtype=jnp.float32) * 0.02
    return {"x": x, "table": table}

def reference(x, table):
    # Faithful translation of TokenEmbedding.call
    # rank check (static in jax)
    assert x.ndim == 4, f"TokenEmbedding expects 4D [B,H,W,C], got {x.shape}"
    vocab = table.shape[0]
    # tf.cond(is_onehot, argmax_fn, cast_fn): shapes are static in jax so a
    # Python-level branch is exactly equivalent.
    if x.shape[-1] == vocab:
        idx = jnp.argmax(x, axis=-1).astype(jnp.int32)
    else:
        idx = x.astype(jnp.int32)
    B, H, W = x.shape[0], x.shape[1], x.shape[2]
    flat_x = idx.reshape(-1)
    flat_emb = jnp.take(table, flat_x, axis=0)
    output = flat_emb.reshape(B, H, W, -1)
    return output

if __name__ == "__main__":
    import jax
    _d = setup_inputs()
    print(jax.jit(kernel)(*tuple(_d.values())))

</pallas_src>

<mosaic_0001>
#map = affine_map<(d0, d1) -> (0, 0)>
#map1 = affine_map<(d0, d1) -> (0)>
#map2 = affine_map<(d0, d1) -> (0, 0, 0)>
module attributes {stable_mosaic.version = 14 : i64} {
  func.func @body(%arg0: i32, %arg1: i32, %arg2: memref<1000000x64xf32, #tpu.memory_space<hbm>>, %arg3: memref<409600xi32, #tpu.memory_space<hbm>>, %arg4: memref<1024x400x64xf32, #tpu.memory_space<hbm>>, %arg5: memref<256xi32, #tpu.memory_space<vmem>>, %arg6: memref<256xi32, #tpu.memory_space<vmem>>, %arg7: memref<256x64xf32, #tpu.memory_space<vmem>>, %arg8: memref<256x64xf32, #tpu.memory_space<vmem>>, %arg9: memref<!tpu.dma_semaphore, #tpu.memory_space<semaphore_mem>>, %arg10: memref<!tpu.dma_semaphore, #tpu.memory_space<semaphore_mem>>, %arg11: memref<!tpu.dma_semaphore, #tpu.memory_space<semaphore_mem>>, %arg12: memref<!tpu.dma_semaphore, #tpu.memory_space<semaphore_mem>>) attributes {dimension_semantics = [#tpu.dimension_semantics<core_parallel>, #tpu.dimension_semantics<subcore_parallel>], iteration_bounds = array<i64: 2, 16>, scalar_prefetch = 0 : i64, scratch_operands = 8 : i64, tpu.core_type = #tpu.core_type<sc_vector_subcore>, window_params = [{transform_indices = #map}, {transform_indices = #map1}, {transform_indices = #map2}]} {
    %mul3A = arith.constant 2 : i32
    %mul3A_0 = arith.muli %arg1, %mul3A : i32
    %add3A = arith.addi %mul3A_0, %arg0 : i32
    %mul3A_1 = arith.constant 50 : i32
    %mul3A_2 = arith.muli %add3A, %mul3A_1 : i32
    %add3A_3 = arith.constant 0 : i32
    %add3A_4 = arith.addi %mul3A_2, %add3A_3 : i32
    %jit3A = arith.constant 4 : i32
    %div3A = arith.divsi %add3A_4, %jit3A : i32
    %sign3A = arith.constant 0 : i32
    %sign3A_5 = arith.cmpi sgt, %add3A_4, %sign3A : i32
    %sign3A_6 = arith.extui %sign3A_5 : i1 to i32
    %sign3A_7 = arith.constant 0 : i32
    %sign3A_8 = arith.cmpi slt, %add3A_4, %sign3A_7 : i32
    %sign3A_9 = arith.extui %sign3A_8 : i1 to i32
    %sign3A_10 = arith.subi %sign3A_6, %sign3A_9 : i32
    %sign3A_11 = arith.constant 0 : i32
    %sign3A_12 = arith.cmpi sgt, %jit3A, %sign3A_11 : i32
    %sign3A_13 = arith.extui %sign3A_12 : i1 to i32
    %sign3A_14 = arith.constant 0 : i32
    %sign3A_15 = arith.cmpi slt, %jit3A, %sign3A_14 : i32
    %sign3A_16 = arith.extui %sign3A_15 : i1 to i32
    %sign3A_17 = arith.subi %sign3A_13, %sign3A_16 : i32
    %ne3A = arith.cmpi ne, %sign3A_10, %sign3A_17 : i32
    %rem3A = arith.remsi %add3A_4, %jit3A : i32
    %ne3A_18 = arith.constant 0 : i32
    %ne3A_19 = arith.cmpi ne, %rem3A, %ne3A_18 : i32
    %and3A = arith.andi %ne3A, %ne3A_19 : i1
    %sub3A = arith.constant 1 : i32
    %sub3A_20 = arith.subi %div3A, %sub3A : i32
    %select_n3A = arith.select %and3A, %sub3A_20, %div3A : i32
    %jit3A_21 = arith.constant 4 : i32
    %eq3A = arith.constant 0 : i32
    %eq3A_22 = arith.cmpi eq, %jit3A_21, %eq3A : i32
    %jit3A_23 = arith.constant 1 : i32
    %select_n3A_24 = arith.select %eq3A_22, %jit3A_23, %jit3A_21 : i32
    %rem3A_25 = arith.remsi %add3A_4, %select_n3A_24 : i32
    %ne3A_26 = arith.constant 0 : i32
    %ne3A_27 = arith.cmpi ne, %rem3A_25, %ne3A_26 : i32
    %lt3A = arith.constant 0 : i32
    %lt3A_28 = arith.cmpi slt, %rem3A_25, %lt3A : i32
    %lt3A_29 = arith.constant 0 : i32
    %lt3A_30 = arith.cmpi slt, %select_n3A_24, %lt3A_29 : i32
    %ne3A_31 = arith.xori %lt3A_28, %lt3A_30 : i1
    %and3A_32 = arith.andi %ne3A_31, %ne3A_27 : i1
    %add3A_33 = arith.addi %rem3A_25, %select_n3A_24 : i32
    %select_n3A_34 = arith.select %and3A_32, %add3A_33, %rem3A_25 : i32
    %mul3A_35 = arith.constant 1024 : i32
    %mul3A_36 = arith.muli %select_n3A, %mul3A_35 : i32
    %mul3A_37 = arith.constant 256 : i32
    %mul3A_38 = arith.muli %select_n3A_34, %mul3A_37 : i32
    %add3A_39 = arith.addi %mul3A_36, %mul3A_38 : i32
    "tpu.region"() ({
      %run_scoped3A = tpu.sem_alloc : memref<!tpu.dma_semaphore, #tpu.memory_space<semaphore_mem>>
      %dma_start3A = tpu.memref_slice %arg3[%add3A_39] : memref<409600xi32, #tpu.memory_space<hbm>> -> memref<256xi32, #tpu.memory_space<hbm>>
      %dma_start3A_68 = tpu.memref_slice %arg3[%add3A_39] : memref<409600xi32, #tpu.memory_space<hbm>> -> memref<256xi32, #tpu.memory_space<hbm>>
      tpu.enqueue_dma source(%dma_start3A_68 : memref<256xi32, #tpu.memory_space<hbm>>) target(%arg5 : memref<256xi32, #tpu.memory_space<vmem>>) target_semaphore(%run_scoped3A : memref<!tpu.dma_semaphore, #tpu.memory_space<semaphore_mem>>)
      %dma_wait3A_69 = tpu.memref_slice %arg3[%add3A_39] : memref<409600xi32, #tpu.memory_space<hbm>> -> memref<256xi32, #tpu.memory_space<hbm>>
      %dma_wait3A_70 = tpu.memref_slice %arg3[%add3A_39] : memref<409600xi32, #tpu.memory_space<hbm>> -> memref<256xi32, #tpu.memory_space<hbm>>
      tpu.wait_dma2 semaphore(%run_scoped3A : memref<!tpu.dma_semaphore, #tpu.memory_space<semaphore_mem>>) src(%dma_wait3A_70 : memref<256xi32, #tpu.memory_space<hbm>>) dst(%arg5 : memref<256xi32, #tpu.memory_space<vmem>>)
      tpu.yield
    }) : () -> ()
    %scan3A = arith.constant 0 : i32
    %scan3A_40 = arith.constant 0 : i32
    %scan3A_41 = arith.constant 16 : i32
    %scan3A_42 = arith.addi %scan3A_40, %scan3A_41 : i32
    %scan3A_43 = arith.constant 1 : i32
    scf.for %scan3A_68 = %scan3A_40 to %scan3A_42 step %scan3A_43  : i32 {
      %mul3A_69 = arith.constant 16 : i32
      %mul3A_70 = arith.muli %scan3A_68, %mul3A_69 : i32
      %get3A = arith.index_cast %mul3A_70 : i32 to index
      %get3A_71 = tpu.vector_load %arg5[%get3A] {strides = array<i32>} : memref<256xi32, #tpu.memory_space<vmem>>, vector<16xi32>,
      %slice3A = vector.extract_strided_slice %get3A_71 {offsets = [0], sizes = [1], strides = [1]} : vector<16xi32> to vector<1xi32>
      %squeeze3A = vector.extract %slice3A[0] : i32 from vector<1xi32>
      %mul3A_72 = arith.constant 16 : i32
      %mul3A_73 = arith.muli %scan3A_68, %mul3A_72 : i32
      %add3A_74 = arith.constant 0 : i32
      %add3A_75 = arith.addi %mul3A_73, %add3A_74 : i32
      %dma_start3A = arith.constant 0 : i32
      %dma_start3A_76 = tpu.memref_slice %arg7[%add3A_75, %dma_start3A] : memref<256x64xf32, #tpu.memory_space<vmem>> -> memref<1x64xf32, #tpu.memory_space<vmem>>
      %dma_start3A_77 = arith.constant 0 : i32
      %dma_start3A_78 = tpu.memref_slice %arg2[%squeeze3A, %dma_start3A_77] : memref<1000000x64xf32, #tpu.memory_space<hbm>> -> memref<1x64xf32, #tpu.memory_space<hbm>>
      %dma_start3A_79 = arith.constant 0 : i32
      %dma_start3A_80 = tpu.memref_slice %arg7[%add3A_75, %dma_start3A_79] : memref<256x64xf32, #tpu.memory_space<vmem>> -> memref<1x64xf32, #tpu.memory_space<vmem>>
      %dma_start3A_81 = arith.constant 0 : i32
      %dma_start3A_82 = tpu.memref_slice %arg2[%squeeze3A, %dma_start3A_81] : memref<1000000x64xf32, #tpu.memory_space<hbm>> -> memref<1x64xf32, #tpu.memory_space<hbm>>
      tpu.enqueue_dma source(%dma_start3A_82 : memref<1x64xf32, #tpu.memory_space<hbm>>) target(%dma_start3A_80 : memref<1x64xf32, #tpu.memory_space<vmem>>) target_semaphore(%arg9 : memref<!tpu.dma_semaphore, #tpu.memory_space<semaphore_mem>>)
      %slice3A_83 = vector.extract_strided_slice %get3A_71 {offsets = [1], sizes = [1], strides = [1]} : vector<16xi32> to vector<1xi32>
      %squeeze3A_84 = vector.extract %slice3A_83[0] : i32 from vector<1xi32>
      %mul3A_85 = arith.constant 16 : i32
      %mul3A_86 = arith.muli %scan3A_68, %mul3A_85 : i32
      %add3A_87 = arith.constant 1 : i32
      %add3A_88 = arith.addi %mul3A_86, %add3A_87 : i32
      %dma_start3A_89 = arith.constant 0 : i32
      %dma_start3A_90 = tpu.memref_slice %arg7[%add3A_88, %dma_start3A_89] : memref<256x64xf32, #tpu.memory_space<vmem>> -> memref<1x64xf32, #tpu.memory_space<vmem>>
      %dma_start3A_91 = arith.constant 0 : i32
      %dma_start3A_92 = tpu.memref_slice %arg2[%squeeze3A_84, %dma_start3A_91] : memref<1000000x64xf32, #tpu.memory_space<hbm>> -> memref<1x64xf32, #tpu.memory_space<hbm>>
      %dma_start3A_93 = arith.constant 0 : i32
      %dma_start3A_94 = tpu.memref_slice %arg7[%add3A_88, %dma_start3A_93] : memref<256x64xf32, #tpu.memory_space<vmem>> -> memref<1x64xf32, #tpu.memory_space<vmem>>
      %dma_start3A_95 = arith.constant 0 : i32
      %dma_start3A_96 = tpu.memref_slice %arg2[%squeeze3A_84, %dma_start3A_95] : memref<1000000x64xf32, #tpu.memory_space<hbm>> -> memref<1x64xf32, #tpu.memory_space<hbm>>
      tpu.enqueue_dma source(%dma_start3A_96 : memref<1x64xf32, #tpu.memory_space<hbm>>) target(%dma_start3A_94 : memref<1x64xf32, #tpu.memory_space<vmem>>) target_semaphore(%arg9 : memref<!tpu.dma_semaphore, #tpu.memory_space<semaphore_mem>>)
      %slice3A_97 = vector.extract_strided_slice %get3A_71 {offsets = [2], sizes = [1], strides = [1]} : vector<16xi32> to vector<1xi32>
      %squeeze3A_98 = vector.extract %slice3A_97[0] : i32 from vector<1xi32>
      %mul3A_99 = arith.constant 16 : i32
      %mul3A_100 = arith.muli %scan3A_68, %mul3A_99 : i32
      %add3A_101 = arith.constant 2 : i32
      %add3A_102 = arith.addi %mul3A_100, %add3A_101 : i32
      %dma_start3A_103 = arith.constant 0 : i32
      %dma_start3A_104 = tpu.memref_slice %arg7[%add3A_102, %dma_start3A_103] : memref<256x64xf32, #tpu.memory_space<vmem>> -> memref<1x64xf32, #tpu.memory_space<vmem>>
      %dma_start3A_105 = arith.constant 0 : i32
      %dma_start3A_106 = tpu.memref_slice %arg2[%squeeze3A_98, %dma_start3A_105] : memref<1000000x64xf32, #tpu.memory_space<hbm>> -> memref<1x64xf32, #tpu.memory_space<hbm>>
      %dma_start3A_107 = arith.constant 0 : i32
      %dma_start3A_108 = tpu.memref_slice %arg7[%add3A_102, %dma_start3A_107] : memref<256x64xf32, #tpu.memory_space<vmem>> -> memref<1x64xf32, #tpu.memory_space<vmem>>
      %dma_start3A_109 = arith.constant 0 : i32
      %dma_start3A_110 = tpu.memref_slice %arg2[%squeeze3A_98, %dma_start3A_109] : memref<1000000x64xf32, #tpu.memory_space<hbm>> -> memref<1x64xf32, #tpu.memory_space<hbm>>
      tpu.enqueue_dma source(%dma_start3A_110 : memref<1x64xf32, #tpu.memory_space<hbm>>) target(%dma_start3A_108 : memref<1x64xf32, #tpu.memory_space<vmem>>) target_semaphore(%arg9 : memref<!tpu.dma_semaphore, #tpu.memory_space<semaphore_mem>>)
      %slice3A_111 = vector.extract_strided_slice %get3A_71 {offsets = [3], sizes = [1], strides = [1]} : vector<16xi32> to vector<1xi32>
      %squeeze3A_112 = vector.extract %slice3A_111[0] : i32 from vector<1xi32>
      %mul3A_113 = arith.constant 16 : i32
      %mul3A_114 = arith.muli %scan3A_68, %mul3A_113 : i32
      %add3A_115 = arith.constant 3 : i32
      %add3A_116 = arith.addi %mul3A_114, %add3A_115 : i32
      %dma_start3A_117 = arith.constant 0 : i32
      %dma_start3A_118 = tpu.memref_slice %arg7[%add3A_116, %dma_start3A_117] : memref<256x64xf32, #tpu.memory_space<vmem>> -> memref<1x64xf32, #tpu.memory_space<vmem>>
      %dma_start3A_119 = arith.constant 0 : i32
      %dma_start3A_120 = tpu.memref_slice %arg2[%squeeze3A_112, %dma_start3A_119] : memref<1000000x64xf32, #tpu.memory_space<hbm>> -> memref<1x64xf32, #tpu.memory_space<hbm>>
      %dma_start3A_121 = arith.constant 0 : i32
      %dma_start3A_122 = tpu.memref_slice %arg7[%add3A_116, %dma_start3A_121] : memref<256x64xf32, #tpu.memory_space<vmem>> -> memref<1x64xf32, #tpu.memory_space<vmem>>
      %dma_start3A_123 = arith.constant 0 : i32
      %dma_start3A_124 = tpu.memref_slice %arg2[%squeeze3A_112, %dma_start3A_123] : memref<1000000x64xf32, #tpu.memory_space<hbm>> -> memref<1x64xf32, #tpu.memory_space<hbm>>
      tpu.enqueue_dma source(%dma_start3A_124 : memref<1x64xf32, #tpu.memory_space<hbm>>) target(%dma_start3A_122 : memref<1x64xf32, #tpu.memory_space<vmem>>) target_semaphore(%arg9 : memref<!tpu.dma_semaphore, #tpu.memory_space<semaphore_mem>>)
      %slice3A_125 = vector.extract_strided_slice %get3A_71 {offsets = [4], sizes = [1], strides = [1]} : vector<16xi32> to vector<1xi32>
      %squeeze3A_126 = vector.extract %slice3A_125[0] : i32 from vector<1xi32>
      %mul3A_127 = arith.constant 16 : i32
      %mul3A_128 = arith.muli %scan3A_68, %mul3A_127 : i32
      %add3A_129 = arith.constant 4 : i32
      %add3A_130 = arith.addi %mul3A_128, %add3A_129 : i32
      %dma_start3A_131 = arith.constant 0 : i32
      %dma_start3A_132 = tpu.memref_slice %arg7[%add3A_130, %dma_start3A_131] : memref<256x64xf32, #tpu.memory_space<vmem>> -> memref<1x64xf32, #tpu.memory_space<vmem>>
      %dma_start3A_133 = arith.constant 0 : i32
      %dma_start3A_134 = tpu.memref_slice %arg2[%squeeze3A_126, %dma_start3A_133] : memref<1000000x64xf32, #tpu.memory_space<hbm>> -> memref<1x64xf32, #tpu.memory_space<hbm>>
      %dma_start3A_135 = arith.constant 0 : i32
      %dma_start3A_136 = tpu.memref_slice %arg7[%add3A_130, %dma_start3A_135] : memref<256x64xf32, #tpu.memory_space<vmem>> -> memref<1x64xf32, #tpu.memory_space<vmem>>
      %dma_start3A_137 = arith.constant 0 : i32
      %dma_start3A_138 = tpu.memref_slice %arg2[%squeeze3A_126, %dma_start3A_137] : memref<1000000x64xf32, #tpu.memory_space<hbm>> -> memref<1x64xf32, #tpu.memory_space<hbm>>
      tpu.enqueue_dma source(%dma_start3A_138 : memref<1x64xf32, #tpu.memory_space<hbm>>) target(%dma_start3A_136 : memref<1x64xf32, #tpu.memory_space<vmem>>) target_semaphore(%arg9 : memref<!tpu.dma_semaphore, #tpu.memory_space<semaphore_mem>>)
      %slice3A_139 = vector.extract_strided_slice %get3A_71 {offsets = [5], sizes = [1], strides = [1]} : vector<16xi32> to vector<1xi32>
      %squeeze3A_140 = vector.extract %slice3A_139[0] : i32 from vector<1xi32>
      %mul3A_141 = arith.constant 16 : i32
      %mul3A_142 = arith.muli %scan3A_68, %mul3A_141 : i32
      %add3A_143 = arith.constant 5 : i32
      %add3A_144 = arith.addi %mul3A_142, %add3A_143 : i32
      %dma_start3A_145 = arith.constant 0 : i32
      %dma_start3A_146 = tpu.memref_slice %arg7[%add3A_144, %dma_start3A_145] : memref<256x64xf32, #tpu.memory_space<vmem>> -> memref<1x64xf32, #tpu.memory_space<vmem>>
      %dma_start3A_147 = arith.constant 0 : i32
      %dma_start3A_148 = tpu.memref_slice %arg2[%squeeze3A_140, %dma_start3A_147] : memref<1000000x64xf32, #tpu.memory_space<hbm>> -> memref<1x64xf32, #tpu.memory_space<hbm>>
      %dma_start3A_149 = arith.constant 0 : i32
      %dma_start3A_150 = tpu.memref_slice %arg7[%add3A_144, %dma_start3A_149] : memref<256x64xf32, #tpu.memory_space<vmem>> -> memref<1x64xf32, #tpu.memory_space<vmem>>
      %dma_start3A_151 = arith.constant 0 : i32
      %dma_start3A_152 = tpu.memref_slice %arg2[%squeeze3A_140, %dma_start3A_151] : memref<1000000x64xf32, #tpu.memory_space<hbm>> -> memref<1x64xf32, #tpu.memory_space<hbm>>
      tpu.enqueue_dma source(%dma_start3A_152 : memref<1x64xf32, #tpu.memory_space<hbm>>) target(%dma_start3A_150 : memref<1x64xf32, #tpu.memory_space<vmem>>) target_semaphore(%arg9 : memref<!tpu.dma_semaphore, #tpu.memory_space<semaphore_mem>>)
      %slice3A_153 = vector.extract_strided_slice %get3A_71 {offsets = [6], sizes = [1], strides = [1]} : vector<16xi32> to vector<1xi32>
      %squeeze3A_154 = vector.extract %slice3A_153[0] : i32 from vector<1xi32>
      %mul3A_155 = arith.constant 16 : i32
      %mul3A_156 = arith.muli %scan3A_68, %mul3A_155 : i32
      %add3A_157 = arith.constant 6 : i32
      %add3A_158 = arith.addi %mul3A_156, %add3A_157 : i32
      %dma_start3A_159 = arith.constant 0 : i32
      %dma_start3A_160 = tpu.memref_slice %arg7[%add3A_158, %dma_start3A_159] : memref<256x64xf32, #tpu.memory_space<vmem>> -> memref<1x64xf32, #tpu.memory_space<vmem>>
      %dma_start3A_161 = arith.constant 0 : i32
      %dma_start3A_162 = tpu.memref_slice %arg2[%squeeze3A_154, %dma_start3A_161] : memref<1000000x64xf32, #tpu.memory_space<hbm>> -> memref<1x64xf32, #tpu.memory_space<hbm>>
      %dma_start3A_163 = arith.constant 0 : i32
      %dma_start3A_164 = tpu.memref_slice %arg7[%add3A_158, %dma_start3A_163] : memref<256x64xf32, #tpu.memory_space<vmem>> -> memref<1x64xf32, #tpu.memory_space<vmem>>
      %dma_start3A_165 = arith.constant 0 : i32
      %dma_start3A_166 = tpu.memref_slice %arg2[%squeeze3A_154, %dma_start3A_165] : memref<1000000x64xf32, #tpu.memory_space<hbm>> -> memref<1x64xf32, #tpu.memory_space<hbm>>
      tpu.enqueue_dma source(%dma_start3A_166 : memref<1x64xf32, #tpu.memory_space<hbm>>) target(%dma_start3A_164 : memref<1x64xf32, #tpu.memory_space<vmem>>) target_semaphore(%arg9 : memref<!tpu.dma_semaphore, #tpu.memory_space<semaphore_mem>>)
      %slice3A_167 = vector.extract_strided_slice %get3A_71 {offsets = [7], sizes = [1], strides = [1]} : vector<16xi32> to vector<1xi32>
      %squeeze3A_168 = vector.extract %slice3A_167[0] : i32 from vector<1xi32>
      %mul3A_169 = arith.constant 16 : i32
      %mul3A_170 = arith.muli %scan3A_68, %mul3A_169 : i32
      %add3A_171 = arith.constant 7 : i32
      %add3A_172 = arith.addi %mul3A_170, %add3A_171 : i32
      %dma_start3A_173 = arith.constant 0 : i32
      %dma_start3A_174 = tpu.memref_slice %arg7[%add3A_172, %dma_start3A_173] : memref<256x64xf32, #tpu.memory_space<vmem>> -> memref<1x64xf32, #tpu.memory_space<vmem>>
      %dma_start3A_175 = arith.constant 0 : i32
      %dma_start3A_176 = tpu.memref_slice %arg2[%squeeze3A_168, %dma_start3A_175] : memref<1000000x64xf32, #tpu.memory_space<hbm>> -> memref<1x64xf32, #tpu.memory_space<hbm>>
      %dma_start3A_177 = arith.constant 0 : i32
      %dma_start3A_178 = tpu.memref_slice %arg7[%add3A_172, %dma_start3A_177] : memref<256x64xf32, #tpu.memory_space<vmem>> -> memref<1x64xf32, #tpu.memory_space<vmem>>
      %dma_start3A_179 = arith.constant 0 : i32
      %dma_start3A_180 = tpu.memref_slice %arg2[%squeeze3A_168, %dma_start3A_179] : memref<1000000x64xf32, #tpu.memory_space<hbm>> -> memref<1x64xf32, #tpu.memory_space<hbm>>
      tpu.enqueue_dma source(%dma_start3A_180 : memref<1x64xf32, #tpu.memory_space<hbm>>) target(%dma_start3A_178 : memref<1x64xf32, #tpu.memory_space<vmem>>) target_semaphore(%arg9 : memref<!tpu.dma_semaphore, #tpu.memory_space<semaphore_mem>>)
      %slice3A_181 = vector.extract_strided_slice %get3A_71 {offsets = [8], sizes = [1], strides = [1]} : vector<16xi32> to vector<1xi32>
      %squeeze3A_182 = vector.extract %slice3A_181[0] : i32 from vector<1xi32>
      %mul3A_183 = arith.constant 16 : i32
      %mul3A_184 = arith.muli %scan3A_68, %mul3A_183 : i32
      %add3A_185 = arith.constant 8 : i32
      %add3A_186 = arith.addi %mul3A_184, %add3A_185 : i32
      %dma_start3A_187 = arith.constant 0 : i32
      %dma_start3A_188 = tpu.memref_slice %arg7[%add3A_186, %dma_start3A_187] : memref<256x64xf32, #tpu.memory_space<vmem>> -> memref<1x64xf32, #tpu.memory_space<vmem>>
      %dma_start3A_189 = arith.constant 0 : i32
      %dma_start3A_190 = tpu.memref_slice %arg2[%squeeze3A_182, %dma_start3A_189] : memref<1000000x64xf32, #tpu.memory_space<hbm>> -> memref<1x64xf32, #tpu.memory_space<hbm>>
      %dma_start3A_191 = arith.constant 0 : i32
      %dma_start3A_192 = tpu.memref_slice %arg7[%add3A_186, %dma_start3A_191] : memref<256x64xf32, #tpu.memory_space<vmem>> -> memref<1x64xf32, #tpu.memory_space<vmem>>
      %dma_start3A_193 = arith.constant 0 : i32
      %dma_start3A_194 = tpu.memref_slice %arg2[%squeeze3A_182, %dma_start3A_193] : memref<1000000x64xf32, #tpu.memory_space<hbm>> -> memref<1x64xf32, #tpu.memory_space<hbm>>
      tpu.enqueue_dma source(%dma_start3A_194 : memref<1x64xf32, #tpu.memory_space<hbm>>) target(%dma_start3A_192 : memref<1x64xf32, #tpu.memory_space<vmem>>) target_semaphore(%arg9 : memref<!tpu.dma_semaphore, #tpu.memory_space<semaphore_mem>>)
      %slice3A_195 = vector.extract_strided_slice %get3A_71 {offsets = [9], sizes = [1], strides = [1]} : vector<16xi32> to vector<1xi32>
      %squeeze3A_196 = vector.extract %slice3A_195[0] : i32 from vector<1xi32>
      %mul3A_197 = arith.constant 16 : i32
      %mul3A_198 = arith.muli %scan3A_68, %mul3A_197 : i32
      %add3A_199 = arith.constant 9 : i32
      %add3A_200 = arith.addi %mul3A_198, %add3A_199 : i32
      %dma_start3A_201 = arith.constant 0 : i32
      %dma_start3A_202 = tpu.memref_slice %arg7[%add3A_200, %dma_start3A_201] : memref<256x64xf32, #tpu.memory_space<vmem>> -> memref<1x64xf32, #tpu.memory_space<vmem>>
      %dma_start3A_203 = arith.constant 0 : i32
      %dma_start3A_204 = tpu.memref_slice %arg2[%squeeze3A_196, %dma_start3A_203] : memref<1000000x64xf32, #tpu.memory_space<hbm>> -> memref<1x64xf32, #tpu.memory_space<hbm>>
      %dma_start3A_205 = arith.constant 0 : i32
      %dma_start3A_206 = tpu.memref_slice %arg7[%add3A_200, %dma_start3A_205] : memref<256x64xf32, #tpu.memory_space<vmem>> -> memref<1x64xf32, #tpu.memory_space<vmem>>
      %dma_start3A_207 = arith.constant 0 : i32
      %dma_start3A_208 = tpu.memref_slice %arg2[%squeeze3A_196, %dma_start3A_207] : memref<1000000x64xf32, #tpu.memory_space<hbm>> -> memref<1x64xf32, #tpu.memory_space<hbm>>
      tpu.enqueue_dma source(%dma_start3A_208 : memref<1x64xf32, #tpu.memory_space<hbm>>) target(%dma_start3A_206 : memref<1x64xf32, #tpu.memory_space<vmem>>) target_semaphore(%arg9 : memref<!tpu.dma_semaphore, #tpu.memory_space<semaphore_mem>>)
      %slice3A_209 = vector.extract_strided_slice %get3A_71 {offsets = [10], sizes = [1], strides = [1]} : vector<16xi32> to vector<1xi32>
      %squeeze3A_210 = vector.extract %slice3A_209[0] : i32 from vector<1xi32>
      %mul3A_211 = arith.constant 16 : i32
      %mul3A_212 = arith.muli %scan3A_68, %mul3A_211 : i32
      %add3A_213 = arith.constant 10 : i32
      %add3A_214 = arith.addi %mul3A_212, %add3A_213 : i32
      %dma_start3A_215 = arith.constant 0 : i32
      %dma_start3A_216 = tpu.memref_slice %arg7[%add3A_214, %dma_start3A_215] : memref<256x64xf32, #tpu.memory_space<vmem>> -> memref<1x64xf32, #tpu.memory_space<vmem>>
      %dma_start3A_217 = arith.constant 0 : i32
      %dma_start3A_218 = tpu.memref_slice %arg2[%squeeze3A_210, %dma_start3A_217] : memref<1000000x64xf32, #tpu.memory_space<hbm>> -> memref<1x64xf32, #tpu.memory_space<hbm>>
      %dma_start3A_219 = arith.constant 0 : i32
      %dma_start3A_220 = tpu.memref_slice %arg7[%add3A_214, %dma_start3A_219] : memref<256x64xf32, #tpu.memory_space<vmem>> -> memref<1x64xf32, #tpu.memory_space<vmem>>
      %dma_start3A_221 = arith.constant 0 : i32
      %dma_start3A_222 = tpu.memref_slice %arg2[%squeeze3A_210, %dma_start3A_221] : memref<1000000x64xf32, #tpu.memory_space<hbm>> -> memref<1x64xf32, #tpu.memory_space<hbm>>
      tpu.enqueue_dma source(%dma_start3A_222 : memref<1x64xf32, #tpu.memory_space<hbm>>) target(%dma_start3A_220 : memref<1x64xf32, #tpu.memory_space<vmem>>) target_semaphore(%arg9 : memref<!tpu.dma_semaphore, #tpu.memory_space<semaphore_mem>>)
      %slice3A_223 = vector.extract_strided_slice %get3A_71 {offsets = [11], sizes = [1], strides = [1]} : vector<16xi32> to vector<1xi32>
      %squeeze3A_224 = vector.extract %slice3A_223[0] : i32 from vector<1xi32>
      %mul3A_225 = arith.constant 16 : i32
      %mul3A_226 = arith.muli %scan3A_68, %mul3A_225 : i32
      %add3A_227 = arith.constant 11 : i32
      %add3A_228 = arith.addi %mul3A_226, %add3A_227 : i32
      %dma_start3A_229 = arith.constant 0 : i32
      %dma_start3A_230 = tpu.memref_slice %arg7[%add3A_228, %dma_start3A_229] : memref<256x64xf32, #tpu.memory_space<vmem>> -> memref<1x64xf32, #tpu.memory_space<vmem>>
      %dma_start3A_231 = arith.constant 0 : i32
      %dma_start3A_232 = tpu.memref_slice %arg2[%squeeze3A_224, %dma_start3A_231] : memref<1000000x64xf32, #tpu.memory_space<hbm>> -> memref<1x64xf32, #tpu.memory_space<hbm>>
      %dma_start3A_233 = arith.constant 0 : i32
      %dma_start3A_234 = tpu.memref_slice %arg7[%add3A_228, %dma_start3A_233] : memref<256x64xf32, #tpu.memory_space<vmem>> -> memref<1x64xf32, #tpu.memory_space<vmem>>
      %dma_start3A_235 = arith.constant 0 : i32
      %dma_start3A_236 = tpu.memref_slice %arg2[%squeeze3A_224, %dma_start3A_235] : memref<1000000x64xf32, #tpu.memory_space<hbm>> -> memref<1x64xf32, #tpu.memory_space<hbm>>
      tpu.enqueue_dma source(%dma_start3A_236 : memref<1x64xf32, #tpu.memory_space<hbm>>) target(%dma_start3A_234 : memref<1x64xf32, #tpu.memory_space<vmem>>) target_semaphore(%arg9 : memref<!tpu.dma_semaphore, #tpu.memory_space<semaphore_mem>>)
      %slice3A_237 = vector.extract_strided_slice %get3A_71 {offsets = [12], sizes = [1], strides = [1]} : vector<16xi32> to vector<1xi32>
      %squeeze3A_238 = vector.extract %slice3A_237[0] : i32 from vector<1xi32>
      %mul3A_239 = arith.constant 16 : i32
      %mul3A_240 = arith.muli %scan3A_68, %mul3A_239 : i32
      %add3A_241 = arith.constant 12 : i32
      %add3A_242 = arith.addi %mul3A_240, %add3A_241 : i32
      %dma_start3A_243 = arith.constant 0 : i32
      %dma_start3A_244 = tpu.memref_slice %arg7[%add3A_242, %dma_start3A_243] : memref<256x64xf32, #tpu.memory_space<vmem>> -> memref<1x64xf32, #tpu.memory_space<vmem>>
      %dma_start3A_245 = arith.constant 0 : i32
      %dma_start3A_246 = tpu.memref_slice %arg2[%squeeze3A_238, %dma_start3A_245] : memref<1000000x64xf32, #tpu.memory_space<hbm>> -> memref<1x64xf32, #tpu.memory_space<hbm>>
      %dma_start3A_247 = arith.constant 0 : i32
      %dma_start3A_248 = tpu.memref_slice %arg7[%add3A_242, %dma_start3A_247] : memref<256x64xf32, #tpu.memory_space<vmem>> -> memref<1x64xf32, #tpu.memory_space<vmem>>
      %dma_start3A_249 = arith.constant 0 : i32
      %dma_start3A_250 = tpu.memref_slice %arg2[%squeeze3A_238, %dma_start3A_249] : memref<1000000x64xf32, #tpu.memory_space<hbm>> -> memref<1x64xf32, #tpu.memory_space<hbm>>
      tpu.enqueue_dma source(%dma_start3A_250 : memref<1x64xf32, #tpu.memory_space<hbm>>) target(%dma_start3A_248 : memref<1x64xf32, #tpu.memory_space<vmem>>) target_semaphore(%arg9 : memref<!tpu.dma_semaphore, #tpu.memory_space<semaphore_mem>>)
      %slice3A_251 = vector.extract_strided_slice %get3A_71 {offsets = [13], sizes = [1], strides = [1]} : vector<16xi32> to vector<1xi32>
      %squeeze3A_252 = vector.extract %slice3A_251[0] : i32 from vector<1xi32>
      %mul3A_253 = arith.constant 16 : i32
      %mul3A_254 = arith.muli %scan3A_68, %mul3A_253 : i32
      %add3A_255 = arith.constant 13 : i32
      %add3A_256 = arith.addi %mul3A_254, %add3A_255 : i32
      %dma_start3A_257 = arith.constant 0 : i32
      %dma_start3A_258 = tpu.memref_slice %arg7[%add3A_256, %dma_start3A_257] : memref<256x64xf32, #tpu.memory_space<vmem>> -> memref<1x64xf32, #tpu.memory_space<vmem>>
      %dma_start3A_259 = arith.constant 0 : i32
      %dma_start3A_260 = tpu.memref_slice %arg2[%squeeze3A_252, %dma_start3A_259] : memref<1000000x64xf32, #tpu.memory_space<hbm>> -> memref<1x64xf32, #tpu.memory_space<hbm>>
      %dma_start3A_261 = arith.constant 0 : i32
      %dma_start3A_262 = tpu.memref_slice %arg7[%add3A_256, %dma_start3A_261] : memref<256x64xf32, #tpu.memory_space<vmem>> -> memref<1x64xf32, #tpu.memory_space<vmem>>
      %dma_start3A_263 = arith.constant 0 : i32
      %dma_start3A_264 = tpu.memref_slice %arg2[%squeeze3A_252, %dma_start3A_263] : memref<1000000x64xf32, #tpu.memory_space<hbm>> -> memref<1x64xf32, #tpu.memory_space<hbm>>
      tpu.enqueue_dma source(%dma_start3A_264 : memref<1x64xf32, #tpu.memory_space<hbm>>) target(%dma_start3A_262 : memref<1x64xf32, #tpu.memory_space<vmem>>) target_semaphore(%arg9 : memref<!tpu.dma_semaphore, #tpu.memory_space<semaphore_mem>>)
      %slice3A_265 = vector.extract_strided_slice %get3A_71 {offsets = [14], sizes = [1], strides = [1]} : vector<16xi32> to vector<1xi32>
      %squeeze3A_266 = vector.extract %slice3A_265[0] : i32 from vector<1xi32>
      %mul3A_267 = arith.constant 16 : i32
      %mul3A_268 = arith.muli %scan3A_68, %mul3A_267 : i32
      %add3A_269 = arith.constant 14 : i32
      %add3A_270 = arith.addi %mul3A_268, %add3A_269 : i32
      %dma_start3A_271 = arith.constant 0 : i32
      %dma_start3A_272 = tpu.memref_slice %arg7[%add3A_270, %dma_start3A_271] : memref<256x64xf32, #tpu.memory_space<vmem>> -> memref<1x64xf32, #tpu.memory_space<vmem>>
      %dma_start3A_273 = arith.constant 0 : i32
      %dma_start3A_274 = tpu.memref_slice %arg2[%squeeze3A_266, %dma_start3A_273] : memref<1000000x64xf32, #tpu.memory_space<hbm>> -> memref<1x64xf32, #tpu.memory_space<hbm>>
      %dma_start3A_275 = arith.constant 0 : i32
      %dma_start3A_276 = tpu.memref_slice %arg7[%add3A_270, %dma_start3A_275] : memref<256x64xf32, #tpu.memory_space<vmem>> -> memref<1x64xf32, #tpu.memory_space<vmem>>
      %dma_start3A_277 = arith.constant 0 : i32
      %dma_start3A_278 = tpu.memref_slice %arg2[%squeeze3A_266, %dma_start3A_277] : memref<1000000x64xf32, #tpu.memory_space<hbm>> -> memref<1x64xf32, #tpu.memory_space<hbm>>
      tpu.enqueue_dma source(%dma_start3A_278 : memref<1x64xf32, #tpu.memory_space<hbm>>) target(%dma_start3A_276 : memref<1x64xf32, #tpu.memory_space<vmem>>) target_semaphore(%arg9 : memref<!tpu.dma_semaphore, #tpu.memory_space<semaphore_mem>>)
      %slice3A_279 = vector.extract_strided_slice %get3A_71 {offsets = [15], sizes = [1], strides = [1]} : vector<16xi32> to vector<1xi32>
      %squeeze3A_280 = vector.extract %slice3A_279[0] : i32 from vector<1xi32>
      %mul3A_281 = arith.constant 16 : i32
      %mul3A_282 = arith.muli %scan3A_68, %mul3A_281 : i32
      %add3A_283 = arith.constant 15 : i32
      %add3A_284 = arith.addi %mul3A_282, %add3A_283 : i32
      %dma_start3A_285 = arith.constant 0 : i32
      %dma_start3A_286 = tpu.memref_slice %arg7[%add3A_284, %dma_start3A_285] : memref<256x64xf32, #tpu.memory_space<vmem>> -> memref<1x64xf32, #tpu.memory_space<vmem>>
      %dma_start3A_287 = arith.constant 0 : i32
      %dma_start3A_288 = tpu.memref_slice %arg2[%squeeze3A_280, %dma_start3A_287] : memref<1000000x64xf32, #tpu.memory_space<hbm>> -> memref<1x64xf32, #tpu.memory_space<hbm>>
      %dma_start3A_289 = arith.constant 0 : i32
      %dma_start3A_290 = tpu.memref_slice %arg7[%add3A_284, %dma_start3A_289] : memref<256x64xf32, #tpu.memory_space<vmem>> -> memref<1x64xf32, #tpu.memory_space<vmem>>
      %dma_start3A_291 = arith.constant 0 : i32
      %dma_start3A_292 = tpu.memref_slice %arg2[%squeeze3A_280, %dma_start3A_291] : memref<1000000x64xf32, #tpu.memory_space<hbm>> -> memref<1x64xf32, #tpu.memory_space<hbm>>
      tpu.enqueue_dma source(%dma_start3A_292 : memref<1x64xf32, #tpu.memory_space<hbm>>) target(%dma_start3A_290 : memref<1x64xf32, #tpu.memory_space<vmem>>) target_semaphore(%arg9 : memref<!tpu.dma_semaphore, #tpu.memory_space<semaphore_mem>>)
    }
    %scan3A_44 = arith.constant 16 : i32
    %scan3A_45 = arith.constant 0 : i32
    %scan3A_46 = arith.constant 0 : i32
    %scan3A_47 = arith.constant 25 : i32
    %scan3A_48 = arith.addi %scan3A_46, %scan3A_47 : i32
    %scan3A_49 = arith.constant 1 : i32
    scf.for %scan3A_68 = %scan3A_46 to %scan3A_48 step %scan3A_49  : i32 {
      %mul3A_69 = arith.constant 2 : i32
      %mul3A_70 = arith.muli %scan3A_68, %mul3A_69 : i32
      %add3A_71 = arith.constant 1 : i32
      %add3A_72 = arith.addi %mul3A_70, %add3A_71 : i32
      %add3A_73 = arith.addi %mul3A_2, %add3A_72 : i32
      %jit3A_74 = arith.constant 4 : i32
      %div3A_75 = arith.divsi %add3A_73, %jit3A_74 : i32
      %sign3A_76 = arith.constant 0 : i32
      %sign3A_77 = arith.cmpi sgt, %add3A_73, %sign3A_76 : i32
      %sign3A_78 = arith.extui %sign3A_77 : i1 to i32
      %sign3A_79 = arith.constant 0 : i32
      %sign3A_80 = arith.cmpi slt, %add3A_73, %sign3A_79 : i32
      %sign3A_81 = arith.extui %sign3A_80 : i1 to i32
      %sign3A_82 = arith.subi %sign3A_78, %sign3A_81 : i32
      %sign3A_83 = arith.constant 0 : i32
      %sign3A_84 = arith.cmpi sgt, %jit3A_74, %sign3A_83 : i32
      %sign3A_85 = arith.extui %sign3A_84 : i1 to i32
      %sign3A_86 = arith.constant 0 : i32
      %sign3A_87 = arith.cmpi slt, %jit3A_74, %sign3A_86 : i32
      %sign3A_88 = arith.extui %sign3A_87 : i1 to i32
      %sign3A_89 = arith.subi %sign3A_85, %sign3A_88 : i32
      %ne3A_90 = arith.cmpi ne, %sign3A_82, %sign3A_89 : i32
      %rem3A_91 = arith.remsi %add3A_73, %jit3A_74 : i32
      %ne3A_92 = arith.constant 0 : i32
      %ne3A_93 = arith.cmpi ne, %rem3A_91, %ne3A_92 : i32
      %and3A_94 = arith.andi %ne3A_90, %ne3A_93 : i1
      %sub3A_95 = arith.constant 1 : i32
      %sub3A_96 = arith.subi %div3A_75, %sub3A_95 : i32
      %select_n3A_97 = arith.select %and3A_94, %sub3A_96, %div3A_75 : i32
      %jit3A_98 = arith.constant 4 : i32
      %eq3A_99 = arith.constant 0 : i32
      %eq3A_100 = arith.cmpi eq, %jit3A_98, %eq3A_99 : i32
      %jit3A_101 = arith.constant 1 : i32
      %select_n3A_102 = arith.select %eq3A_100, %jit3A_101, %jit3A_98 : i32
      %rem3A_103 = arith.remsi %add3A_73, %select_n3A_102 : i32
      %ne3A_104 = arith.constant 0 : i32
      %ne3A_105 = arith.cmpi ne, %rem3A_103, %ne3A_104 : i32
      %lt3A_106 = arith.constant 0 : i32
      %lt3A_107 = arith.cmpi slt, %rem3A_103, %lt3A_106 : i32
      %lt3A_108 = arith.constant 0 : i32
      %lt3A_109 = arith.cmpi slt, %select_n3A_102, %lt3A_108 : i32
      %ne3A_110 = arith.xori %lt3A_107, %lt3A_109 : i1
      %and3A_111 = arith.andi %ne3A_110, %ne3A_105 : i1
      %add3A_112 = arith.addi %rem3A_103, %select_n3A_102 : i32
      %select_n3A_113 = arith.select %and3A_111, %add3A_112, %rem3A_103 : i32
      %mul3A_114 = arith.constant 1024 : i32
      %mul3A_115 = arith.muli %select_n3A_97, %mul3A_114 : i32
      %mul3A_116 = arith.constant 256 : i32
      %mul3A_117 = arith.muli %select_n3A_113, %mul3A_116 : i32
      %add3A_118 = arith.addi %mul3A_115, %mul3A_117 : i32
      "tpu.region"() ({
        %run_scoped3A = tpu.sem_alloc : memref<!tpu.dma_semaphore, #tpu.memory_space<semaphore_mem>>
        %dma_start3A_243 = tpu.memref_slice %arg3[%add3A_118] : memref<409600xi32, #tpu.memory_space<hbm>> -> memref<256xi32, #tpu.memory_space<hbm>>
        %dma_start3A_244 = tpu.memref_slice %arg3[%add3A_118] : memref<409600xi32, #tpu.memory_space<hbm>> -> memref<256xi32, #tpu.memory_space<hbm>>
        tpu.enqueue_dma source(%dma_start3A_244 : memref<256xi32, #tpu.memory_space<hbm>>) target(%arg6 : memref<256xi32, #tpu.memory_space<vmem>>) target_semaphore(%run_scoped3A : memref<!tpu.dma_semaphore, #tpu.memory_space<semaphore_mem>>)
        %dma_wait3A_245 = tpu.memref_slice %arg3[%add3A_118] : memref<409600xi32, #tpu.memory_space<hbm>> -> memref<256xi32, #tpu.memory_space<hbm>>
        %dma_wait3A_246 = tpu.memref_slice %arg3[%add3A_118] : memref<409600xi32, #tpu.memory_space<hbm>> -> memref<256xi32, #tpu.memory_space<hbm>>
        tpu.wait_dma2 semaphore(%run_scoped3A : memref<!tpu.dma_semaphore, #tpu.memory_space<semaphore_mem>>) src(%dma_wait3A_246 : memref<256xi32, #tpu.memory_space<hbm>>) dst(%arg6 : memref<256xi32, #tpu.memory_space<vmem>>)
        tpu.yield
      }) : () -> ()
      %ge3A = arith.constant 2 : i32
      %ge3A_119 = arith.cmpi sge, %add3A_72, %ge3A : i32
      %convert_element_type3A = arith.extui %ge3A_119 : i1 to i32
      %cond3A = arith.constant 0 : i32
      %cond3A_120 = arith.cmpi ne, %convert_element_type3A, %cond3A : i32
      scf.if %cond3A_120 {
        %dma_wait3A_243 = arith.constant 0 : i32
        %dma_wait3A_244 = arith.constant 0 : i32
        %dma_wait3A_245 = arith.constant 0 : i32
        %dma_wait3A_246 = tpu.memref_slice %arg4[%dma_wait3A_244, %dma_wait3A_243, %dma_wait3A_245] : memref<1024x400x64xf32, #tpu.memory_space<hbm>> -> memref<256x1x64xf32, #tpu.memory_space<hbm>>
        %dma_wait3A_247 = tpu.memref_squeeze %dma_wait3A_246 : memref<256x1x64xf32, #tpu.memory_space<hbm>> -> memref<256x64xf32, #tpu.memory_space<hbm>>
        %dma_wait3A_248 = arith.constant 0 : i32
        %dma_wait3A_249 = arith.constant 0 : i32
        %dma_wait3A_250 = tpu.memref_slice %arg4[%dma_wait3A_248, %dma_wait3A_243, %dma_wait3A_249] : memref<1024x400x64xf32, #tpu.memory_space<hbm>> -> memref<256x1x64xf32, #tpu.memory_space<hbm>>
        %dma_wait3A_251 = tpu.memref_squeeze %dma_wait3A_250 : memref<256x1x64xf32, #tpu.memory_space<hbm>> -> memref<256x64xf32, #tpu.memory_space<hbm>>
        tpu.wait_dma2 semaphore(%arg12 : memref<!tpu.dma_semaphore, #tpu.memory_space<semaphore_mem>>) src(%arg8 : memref<256x64xf32, #tpu.memory_space<vmem>>) dst(%dma_wait3A_251 : memref<256x64xf32, #tpu.memory_space<hbm>>)
      } else {
      }
      %scan3A_121 = arith.constant 0 : i32
      %scan3A_122 = arith.constant 0 : i32
      %scan3A_123 = arith.constant 16 : i32
      %scan3A_124 = arith.addi %scan3A_122, %scan3A_123 : i32
      %scan3A_125 = arith.constant 1 : i32
      scf.for %scan3A_243 = %scan3A_122 to %scan3A_124 step %scan3A_125  : i32 {
        %mul3A_244 = arith.constant 16 : i32
        %mul3A_245 = arith.muli %scan3A_243, %mul3A_244 : i32
        %get3A = arith.index_cast %mul3A_245 : i32 to index
        %get3A_246 = tpu.vector_load %arg6[%get3A] {strides = array<i32>} : memref<256xi32, #tpu.memory_space<vmem>>, vector<16xi32>,
        %slice3A = vector.extract_strided_slice %get3A_246 {offsets = [0], sizes = [1], strides = [1]} : vector<16xi32> to vector<1xi32>
        %squeeze3A = vector.extract %slice3A[0] : i32 from vector<1xi32>
        %mul3A_247 = arith.constant 16 : i32
        %mul3A_248 = arith.muli %scan3A_243, %mul3A_247 : i32
        %add3A_249 = arith.constant 0 : i32
        %add3A_250 = arith.addi %mul3A_248, %add3A_249 : i32
        %dma_start3A_251 = arith.constant 0 : i32
        %dma_start3A_252 = tpu.memref_slice %arg8[%add3A_250, %dma_start3A_251] : memref<256x64xf32, #tpu.memory_space<vmem>> -> memref<1x64xf32, #tpu.memory_space<vmem>>
        %dma_start3A_253 = arith.constant 0 : i32
        %dma_start3A_254 = tpu.memref_slice %arg2[%squeeze3A, %dma_start3A_253] : memref<1000000x64xf32, #tpu.memory_space<hbm>> -> memref<1x64xf32, #tpu.memory_space<hbm>>
        %dma_start3A_255 = arith.constant 0 : i32
        %dma_start3A_256 = tpu.memref_slice %arg8[%add3A_250, %dma_start3A_255] : memref<256x64xf32, #tpu.memory_space<vmem>> -> memref<1x64xf32, #tpu.memory_space<vmem>>
        %dma_start3A_257 = arith.constant 0 : i32
        %dma_start3A_258 = tpu.memref_slice %arg2[%squeeze3A, %dma_start3A_257] : memref<1000000x64xf32, #tpu.memory_space<hbm>> -> memref<1x64xf32, #tpu.memory_space<hbm>>
        tpu.enqueue_dma source(%dma_start3A_258 : memref<1x64xf32, #tpu.memory_space<hbm>>) target(%dma_start3A_256 : memref<1x64xf32, #tpu.memory_space<vmem>>) target_semaphore(%arg10 : memref<!tpu.dma_semaphore, #tpu.memory_space<semaphore_mem>>)
        %slice3A_259 = vector.extract_strided_slice %get3A_246 {offsets = [1], sizes = [1], strides = [1]} : vector<16xi32> to vector<1xi32>
        %squeeze3A_260 = vector.extract %slice3A_259[0] : i32 from vector<1xi32>
        %mul3A_261 = arith.constant 16 : i32
        %mul3A_262 = arith.muli %scan3A_243, %mul3A_261 : i32
        %add3A_263 = arith.constant 1 : i32
        %add3A_264 = arith.addi %mul3A_262, %add3A_263 : i32
        %dma_start3A_265 = arith.constant 0 : i32
        %dma_start3A_266 = tpu.memref_slice %arg8[%add3A_264, %dma_start3A_265] : memref<256x64xf32, #tpu.memory_space<vmem>> -> memref<1x64xf32, #tpu.memory_space<vmem>>
        %dma_start3A_267 = arith.constant 0 : i32
        %dma_start3A_268 = tpu.memref_slice %arg2[%squeeze3A_260, %dma_start3A_267] : memref<1000000x64xf32, #tpu.memory_space<hbm>> -> memref<1x64xf32, #tpu.memory_space<hbm>>
        %dma_start3A_269 = arith.constant 0 : i32
        %dma_start3A_270 = tpu.memref_slice %arg8[%add3A_264, %dma_start3A_269] : memref<256x64xf32, #tpu.memory_space<vmem>> -> memref<1x64xf32, #tpu.memory_space<vmem>>
        %dma_start3A_271 = arith.constant 0 : i32
        %dma_start3A_272 = tpu.memref_slice %arg2[%squeeze3A_260, %dma_start3A_271] : memref<1000000x64xf32, #tpu.memory_space<hbm>> -> memref<1x64xf32, #tpu.memory_space<hbm>>
        tpu.enqueue_dma source(%dma_start3A_272 : memref<1x64xf32, #tpu.memory_space<hbm>>) target(%dma_start3A_270 : memref<1x64xf32, #tpu.memory_space<vmem>>) target_semaphore(%arg10 : memref<!tpu.dma_semaphore, #tpu.memory_space<semaphore_mem>>)
        %slice3A_273 = vector.extract_strided_slice %get3A_246 {offsets = [2], sizes = [1], strides = [1]} : vector<16xi32> to vector<1xi32>
        %squeeze3A_274 = vector.extract %slice3A_273[0] : i32 from vector<1xi32>
        %mul3A_275 = arith.constant 16 : i32
        %mul3A_276 = arith.muli %scan3A_243, %mul3A_275 : i32
        %add3A_277 = arith.constant 2 : i32
        %add3A_278 = arith.addi %mul3A_276, %add3A_277 : i32
        %dma_start3A_279 = arith.constant 0 : i32
        %dma_start3A_280 = tpu.memref_slice %arg8[%add3A_278, %dma_start3A_279] : memref<256x64xf32, #tpu.memory_space<vmem>> -> memref<1x64xf32, #tpu.memory_space<vmem>>
        %dma_start3A_281 = arith.constant 0 : i32
        %dma_start3A_282 = tpu.memref_slice %arg2[%squeeze3A_274, %dma_start3A_281] : memref<1000000x64xf32, #tpu.memory_space<hbm>> -> memref<1x64xf32, #tpu.memory_space<hbm>>
        %dma_start3A_283 = arith.constant 0 : i32
        %dma_start3A_284 = tpu.memref_slice %arg8[%add3A_278, %dma_start3A_283] : memref<256x64xf32, #tpu.memory_space<vmem>> -> memref<1x64xf32, #tpu.memory_space<vmem>>
        %dma_start3A_285 = arith.constant 0 : i32
        %dma_start3A_286 = tpu.memref_slice %arg2[%squeeze3A_274, %dma_start3A_285] : memref<1000000x64xf32, #tpu.memory_space<hbm>> -> memref<1x64xf32, #tpu.memory_space<hbm>>
        tpu.enqueue_dma source(%dma_start3A_286 : memref<1x64xf32, #tpu.memory_space<hbm>>) target(%dma_start3A_284 : memref<1x64xf32, #tpu.memory_space<vmem>>) target_semaphore(%arg10 : memref<!tpu.dma_semaphore, #tpu.memory_space<semaphore_mem>>)
        %slice3A_287 = vector.extract_strided_slice %get3A_246 {offsets = [3], sizes = [1], strides = [1]} : vector<16xi32> to vector<1xi32>
        %squeeze3A_288 = vector.extract %slice3A_287[0] : i32 from vector<1xi32>
        %mul3A_289 = arith.constant 16 : i32
        %mul3A_290 = arith.muli %scan3A_243, %mul3A_289 : i32
        %add3A_291 = arith.constant 3 : i32
        %add3A_292 = arith.addi %mul3A_290, %add3A_291 : i32
        %dma_start3A_293 = arith.constant 0 : i32
        %dma_start3A_294 = tpu.memref_slice %arg8[%add3A_292, %dma_start3A_293] : memref<256x64xf32, #tpu.memory_space<vmem>> -> memref<1x64xf32, #tpu.memory_space<vmem>>
        %dma_start3A_295 = arith.constant 0 : i32
        %dma_start3A_296 = tpu.memref_slice %arg2[%squeeze3A_288, %dma_start3A_295] : memref<1000000x64xf32, #tpu.memory_space<hbm>> -> memref<1x64xf32, #tpu.memory_space<hbm>>
        %dma_start3A_297 = arith.constant 0 : i32
        %dma_start3A_298 = tpu.memref_slice %arg8[%add3A_292, %dma_start3A_297] : memref<256x64xf32, #tpu.memory_space<vmem>> -> memref<1x64xf32, #tpu.memory_space<vmem>>
        %dma_start3A_299 = arith.constant 0 : i32
        %dma_start3A_300 = tpu.memref_slice %arg2[%squeeze3A_288, %dma_start3A_299] : memref<1000000x64xf32, #tpu.memory_space<hbm>> -> memref<1x64xf32, #tpu.memory_space<hbm>>
        tpu.enqueue_dma source(%dma_start3A_300 : memref<1x64xf32, #tpu.memory_space<hbm>>) target(%dma_start3A_298 : memref<1x64xf32, #tpu.memory_space<vmem>>) target_semaphore(%arg10 : memref<!tpu.dma_semaphore, #tpu.memory_space<semaphore_mem>>)
        %slice3A_301 = vector.extract_strided_slice %get3A_246 {offsets = [4], sizes = [1], strides = [1]} : vector<16xi32> to vector<1xi32>
        %squeeze3A_302 = vector.extract %slice3A_301[0] : i32 from vector<1xi32>
        %mul3A_303 = arith.constant 16 : i32
        %mul3A_304 = arith.muli %scan3A_243, %mul3A_303 : i32
        %add3A_305 = arith.constant 4 : i32
        %add3A_306 = arith.addi %mul3A_304, %add3A_305 : i32
        %dma_start3A_307 = arith.constant 0 : i32
        %dma_start3A_308 = tpu.memref_slice %arg8[%add3A_306, %dma_start3A_307] : memref<256x64xf32, #tpu.memory_space<vmem>> -> memref<1x64xf32, #tpu.memory_space<vmem>>
        %dma_start3A_309 = arith.constant 0 : i32
        %dma_start3A_310 = tpu.memref_slice %arg2[%squeeze3A_302, %dma_start3A_309] : memref<1000000x64xf32, #tpu.memory_space<hbm>> -> memref<1x64xf32, #tpu.memory_space<hbm>>
        %dma_start3A_311 = arith.constant 0 : i32
        %dma_start3A_312 = tpu.memref_slice %arg8[%add3A_306, %dma_start3A_311] : memref<256x64xf32, #tpu.memory_space<vmem>> -> memref<1x64xf32, #tpu.memory_space<vmem>>
        %dma_start3A_313 = arith.constant 0 : i32
        %dma_start3A_314 = tpu.memref_slice %arg2[%squeeze3A_302, %dma_start3A_313] : memref<1000000x64xf32, #tpu.memory_space<hbm>> -> memref<1x64xf32, #tpu.memory_space<hbm>>
        tpu.enqueue_dma source(%dma_start3A_314 : memref<1x64xf32, #tpu.memory_space<hbm>>) target(%dma_start3A_312 : memref<1x64xf32, #tpu.memory_space<vmem>>) target_semaphore(%arg10 : memref<!tpu.dma_semaphore, #tpu.memory_space<semaphore_mem>>)
        %slice3A_315 = vector.extract_strided_slice %get3A_246 {offsets = [5], sizes = [1], strides = [1]} : vector<16xi32> to vector<1xi32>
        %squeeze3A_316 = vector.extract %slice3A_315[0] : i32 from vector<1xi32>
        %mul3A_317 = arith.constant 16 : i32
        %mul3A_318 = arith.muli %scan3A_243, %mul3A_317 : i32
        %add3A_319 = arith.constant 5 : i32
        %add3A_320 = arith.addi %mul3A_318, %add3A_319 : i32
        %dma_start3A_321 = arith.constant 0 : i32
        %dma_start3A_322 = tpu.memref_slice %arg8[%add3A_320, %dma_start3A_321] : memref<256x64xf32, #tpu.memory_space<vmem>> -> memref<1x64xf32, #tpu.memory_space<vmem>>
        %dma_start3A_323 = arith.constant 0 : i32
        %dma_start3A_324 = tpu.memref_slice %arg2[%squeeze3A_316, %dma_start3A_323] : memref<1000000x64xf32, #tpu.memory_space<hbm>> -> memref<1x64xf32, #tpu.memory_space<hbm>>
        %dma_start3A_325 = arith.constant 0 : i32
        %dma_start3A_326 = tpu.memref_slice %arg8[%add3A_320, %dma_start3A_325] : memref<256x64xf32, #tpu.memory_space<vmem>> -> memref<1x64xf32, #tpu.memory_space<vmem>>
        %dma_start3A_327 = arith.constant 0 : i32
        %dma_start3A_328 = tpu.memref_slice %arg2[%squeeze3A_316, %dma_start3A_327] : memref<1000000x64xf32, #tpu.memory_space<hbm>> -> memref<1x64xf32, #tpu.memory_space<hbm>>
        tpu.enqueue_dma source(%dma_start3A_328 : memref<1x64xf32, #tpu.memory_space<hbm>>) target(%dma_start3A_326 : memref<1x64xf32, #tpu.memory_space<vmem>>) target_semaphore(%arg10 : memref<!tpu.dma_semaphore, #tpu.memory_space<semaphore_mem>>)
        %slice3A_329 = vector.extract_strided_slice %get3A_246 {offsets = [6], sizes = [1], strides = [1]} : vector<16xi32> to vector<1xi32>
        %squeeze3A_330 = vector.extract %slice3A_329[0] : i32 from vector<1xi32>
        %mul3A_331 = arith.constant 16 : i32
        %mul3A_332 = arith.muli %scan3A_243, %mul3A_331 : i32
        %add3A_333 = arith.constant 6 : i32
        %add3A_334 = arith.addi %mul3A_332, %add3A_333 : i32
        %dma_start3A_335 = arith.constant 0 : i32
        %dma_start3A_336 = tpu.memref_slice %arg8[%add3A_334, %dma_start3A_335] : memref<256x64xf32, #tpu.memory_space<vmem>> -> memref<1x64xf32, #tpu.memory_space<vmem>>
        %dma_start3A_337 = arith.constant 0 : i32
        %dma_start3A_338 = tpu.memref_slice %arg2[%squeeze3A_330, %dma_start3A_337] : memref<1000000x64xf32, #tpu.memory_space<hbm>> -> memref<1x64xf32, #tpu.memory_space<hbm>>
        %dma_start3A_339 = arith.constant 0 : i32
        %dma_start3A_340 = tpu.memref_slice %arg8[%add3A_334, %dma_start3A_339] : memref<256x64xf32, #tpu.memory_space<vmem>> -> memref<1x64xf32, #tpu.memory_space<vmem>>
        %dma_start3A_341 = arith.constant 0 : i32
        %dma_start3A_342 = tpu.memref_slice %arg2[%squeeze3A_330, %dma_start3A_341] : memref<1000000x64xf32, #tpu.memory_space<hbm>> -> memref<1x64xf32, #tpu.memory_space<hbm>>
        tpu.enqueue_dma source(%dma_start3A_342 : memref<1x64xf32, #tpu.memory_space<hbm>>) target(%dma_start3A_340 : memref<1x64xf32, #tpu.memory_space<vmem>>) target_semaphore(%arg10 : memref<!tpu.dma_semaphore, #tpu.memory_space<semaphore_mem>>)
        %slice3A_343 = vector.extract_strided_slice %get3A_246 {offsets = [7], sizes = [1], strides = [1]} : vector<16xi32> to vector<1xi32>
        %squeeze3A_344 = vector.extract %slice3A_343[0] : i32 from vector<1xi32>
        %mul3A_345 = arith.constant 16 : i32
        %mul3A_346 = arith.muli %scan3A_243, %mul3A_345 : i32
        %add3A_347 = arith.constant 7 : i32
        %add3A_348 = arith.addi %mul3A_346, %add3A_347 : i32
        %dma_start3A_349 = arith.constant 0 : i32
        %dma_start3A_350 = tpu.memref_slice %arg8[%add3A_348, %dma_start3A_349] : memref<256x64xf32, #tpu.memory_space<vmem>> -> memref<1x64xf32, #tpu.memory_space<vmem>>
        %dma_start3A_351 = arith.constant 0 : i32
        %dma_start3A_352 = tpu.memref_slice %arg2[%squeeze3A_344, %dma_start3A_351] : memref<1000000x64xf32, #tpu.memory_space<hbm>> -> memref<1x64xf32, #tpu.memory_space<hbm>>
        %dma_start3A_353 = arith.constant 0 : i32
        %dma_start3A_354 = tpu.memref_slice %arg8[%add3A_348, %dma_start3A_353] : memref<256x64xf32, #tpu.memory_space<vmem>> -> memref<1x64xf32, #tpu.memory_space<vmem>>
        %dma_start3A_355 = arith.constant 0 : i32
        %dma_start3A_356 = tpu.memref_slice %arg2[%squeeze3A_344, %dma_start3A_355] : memref<1000000x64xf32, #tpu.memory_space<hbm>> -> memref<1x64xf32, #tpu.memory_space<hbm>>
        tpu.enqueue_dma source(%dma_start3A_356 : memref<1x64xf32, #tpu.memory_space<hbm>>) target(%dma_start3A_354 : memref<1x64xf32, #tpu.memory_space<vmem>>) target_semaphore(%arg10 : memref<!tpu.dma_semaphore, #tpu.memory_space<semaphore_mem>>)
        %slice3A_357 = vector.extract_strided_slice %get3A_246 {offsets = [8], sizes = [1], strides = [1]} : vector<16xi32> to vector<1xi32>
        %squeeze3A_358 = vector.extract %slice3A_357[0] : i32 from vector<1xi32>
        %mul3A_359 = arith.constant 16 : i32
        %mul3A_360 = arith.muli %scan3A_243, %mul3A_359 : i32
        %add3A_361 = arith.constant 8 : i32
        %add3A_362 = arith.addi %mul3A_360, %add3A_361 : i32
        %dma_start3A_363 = arith.constant 0 : i32
        %dma_start3A_364 = tpu.memref_slice %arg8[%add3A_362, %dma_start3A_363] : memref<256x64xf32, #tpu.memory_space<vmem>> -> memref<1x64xf32, #tpu.memory_space<vmem>>
        %dma_start3A_365 = arith.constant 0 : i32
        %dma_start3A_366 = tpu.memref_slice %arg2[%squeeze3A_358, %dma_start3A_365] : memref<1000000x64xf32, #tpu.memory_space<hbm>> -> memref<1x64xf32, #tpu.memory_space<hbm>>
        %dma_start3A_367 = arith.constant 0 : i32
        %dma_start3A_368 = tpu.memref_slice %arg8[%add3A_362, %dma_start3A_367] : memref<256x64xf32, #tpu.memory_space<vmem>> -> memref<1x64xf32, #tpu.memory_space<vmem>>
        %dma_start3A_369 = arith.constant 0 : i32
        %dma_start3A_370 = tpu.memref_slice %arg2[%squeeze3A_358, %dma_start3A_369] : memref<1000000x64xf32, #tpu.memory_space<hbm>> -> memref<1x64xf32, #tpu.memory_space<hbm>>
        tpu.enqueue_dma source(%dma_start3A_370 : memref<1x64xf32, #tpu.memory_space<hbm>>) target(%dma_start3A_368 : memref<1x64xf32, #tpu.memory_space<vmem>>) target_semaphore(%arg10 : memref<!tpu.dma_semaphore, #tpu.memory_space<semaphore_mem>>)
        %slice3A_371 = vector.extract_strided_slice %get3A_246 {offsets = [9], sizes = [1], strides = [1]} : vector<16xi32> to vector<1xi32>
        %squeeze3A_372 = vector.extract %slice3A_371[0] : i32 from vector<1xi32>
        %mul3A_373 = arith.constant 16 : i32
        %mul3A_374 = arith.muli %scan3A_243, %mul3A_373 : i32
        %add3A_375 = arith.constant 9 : i32
        %add3A_376 = arith.addi %mul3A_374, %add3A_375 : i32
        %dma_start3A_377 = arith.constant 0 : i32
        %dma_start3A_378 = tpu.memref_slice %arg8[%add3A_376, %dma_start3A_377] : memref<256x64xf32, #tpu.memory_space<vmem>> -> memref<1x64xf32, #tpu.memory_space<vmem>>
        %dma_start3A_379 = arith.constant 0 : i32
        %dma_start3A_380 = tpu.memref_slice %arg2[%squeeze3A_372, %dma_start3A_379] : memref<1000000x64xf32, #tpu.memory_space<hbm>> -> memref<1x64xf32, #tpu.memory_space<hbm>>
        %dma_start3A_381 = arith.constant 0 : i32
        %dma_start3A_382 = tpu.memref_slice %arg8[%add3A_376, %dma_start3A_381] : memref<256x64xf32, #tpu.memory_space<vmem>> -> memref<1x64xf32, #tpu.memory_space<vmem>>
        %dma_start3A_383 = arith.constant 0 : i32
        %dma_start3A_384 = tpu.memref_slice %arg2[%squeeze3A_372, %dma_start3A_383] : memref<1000000x64xf32, #tpu.memory_space<hbm>> -> memref<1x64xf32, #tpu.memory_space<hbm>>
        tpu.enqueue_dma source(%dma_start3A_384 : memref<1x64xf32, #tpu.memory_space<hbm>>) target(%dma_start3A_382 : memref<1x64xf32, #tpu.memory_space<vmem>>) target_semaphore(%arg10 : memref<!tpu.dma_semaphore, #tpu.memory_space<semaphore_mem>>)
        %slice3A_385 = vector.extract_strided_slice %get3A_246 {offsets = [10], sizes = [1], strides = [1]} : vector<16xi32> to vector<1xi32>
        %squeeze3A_386 = vector.extract %slice3A_385[0] : i32 from vector<1xi32>
        %mul3A_387 = arith.constant 16 : i32
        %mul3A_388 = arith.muli %scan3A_243, %mul3A_387 : i32
        %add3A_389 = arith.constant 10 : i32
        %add3A_390 = arith.addi %mul3A_388, %add3A_389 : i32
        %dma_start3A_391 = arith.constant 0 : i32
        %dma_start3A_392 = tpu.memref_slice %arg8[%add3A_390, %dma_start3A_391] : memref<256x64xf32, #tpu.memory_space<vmem>> -> memref<1x64xf32, #tpu.memory_space<vmem>>
        %dma_start3A_393 = arith.constant 0 : i32
        %dma_start3A_394 = tpu.memref_slice %arg2[%squeeze3A_386, %dma_start3A_393] : memref<1000000x64xf32, #tpu.memory_space<hbm>> -> memref<1x64xf32, #tpu.memory_space<hbm>>
        %dma_start3A_395 = arith.constant 0 : i32
        %dma_start3A_396 = tpu.memref_slice %arg8[%add3A_390, %dma_start3A_395] : memref<256x64xf32, #tpu.memory_space<vmem>> -> memref<1x64xf32, #tpu.memory_space<vmem>>
        %dma_start3A_397 = arith.constant 0 : i32
        %dma_start3A_398 = tpu.memref_slice %arg2[%squeeze3A_386, %dma_start3A_397] : memref<1000000x64xf32, #tpu.memory_space<hbm>> -> memref<1x64xf32, #tpu.memory_space<hbm>>
        tpu.enqueue_dma source(%dma_start3A_398 : memref<1x64xf32, #tpu.memory_space<hbm>>) target(%dma_start3A_396 : memref<1x64xf32, #tpu.memory_space<vmem>>) target_semaphore(%arg10 : memref<!tpu.dma_semaphore, #tpu.memory_space<semaphore_mem>>)
        %slice3A_399 = vector.extract_strided_slice %get3A_246 {offsets = [11], sizes = [1], strides = [1]} : vector<16xi32> to vector<1xi32>
        %squeeze3A_400 = vector.extract %slice3A_399[0] : i32 from vector<1xi32>
        %mul3A_401 = arith.constant 16 : i32
        %mul3A_402 = arith.muli %scan3A_243, %mul3A_401 : i32
        %add3A_403 = arith.constant 11 : i32
        %add3A_404 = arith.addi %mul3A_402, %add3A_403 : i32
        %dma_start3A_405 = arith.constant 0 : i32
        %dma_start3A_406 = tpu.memref_slice %arg8[%add3A_404, %dma_start3A_405] : memref<256x64xf32, #tpu.memory_space<vmem>> -> memref<1x64xf32, #tpu.memory_space<vmem>>
        %dma_start3A_407 = arith.constant 0 : i32
        %dma_start3A_408 = tpu.memref_slice %arg2[%squeeze3A_400, %dma_start3A_407] : memref<1000000x64xf32, #tpu.memory_space<hbm>> -> memref<1x64xf32, #tpu.memory_space<hbm>>
        %dma_start3A_409 = arith.constant 0 : i32
        %dma_start3A_410 = tpu.memref_slice %arg8[%add3A_404, %dma_start3A_409] : memref<256x64xf32, #tpu.memory_space<vmem>> -> memref<1x64xf32, #tpu.memory_space<vmem>>
        %dma_start3A_411 = arith.constant 0 : i32
        %dma_start3A_412 = tpu.memref_slice %arg2[%squeeze3A_400, %dma_start3A_411] : memref<1000000x64xf32, #tpu.memory_space<hbm>> -> memref<1x64xf32, #tpu.memory_space<hbm>>
        tpu.enqueue_dma source(%dma_start3A_412 : memref<1x64xf32, #tpu.memory_space<hbm>>) target(%dma_start3A_410 : memref<1x64xf32, #tpu.memory_space<vmem>>) target_semaphore(%arg10 : memref<!tpu.dma_semaphore, #tpu.memory_space<semaphore_mem>>)
        %slice3A_413 = vector.extract_strided_slice %get3A_246 {offsets = [12], sizes = [1], strides = [1]} : vector<16xi32> to vector<1xi32>
        %squeeze3A_414 = vector.extract %slice3A_413[0] : i32 from vector<1xi32>
        %mul3A_415 = arith.constant 16 : i32
        %mul3A_416 = arith.muli %scan3A_243, %mul3A_415 : i32
        %add3A_417 = arith.constant 12 : i32
        %add3A_418 = arith.addi %mul3A_416, %add3A_417 : i32
        %dma_start3A_419 = arith.constant 0 : i32
        %dma_start3A_420 = tpu.memref_slice %arg8[%add3A_418, %dma_start3A_419] : memref<256x64xf32, #tpu.memory_space<vmem>> -> memref<1x64xf32, #tpu.memory_space<vmem>>
        %dma_start3A_421 = arith.constant 0 : i32
        %dma_start3A_422 = tpu.memref_slice %arg2[%squeeze3A_414, %dma_start3A_421] : memref<1000000x64xf32, #tpu.memory_space<hbm>> -> memref<1x64xf32, #tpu.memory_space<hbm>>
        %dma_start3A_423 = arith.constant 0 : i32
        %dma_start3A_424 = tpu.memref_slice %arg8[%add3A_418, %dma_start3A_423] : memref<256x64xf32, #tpu.memory_space<vmem>> -> memref<1x64xf32, #tpu.memory_space<vmem>>
        %dma_start3A_425 = arith.constant 0 : i32
        %dma_start3A_426 = tpu.memref_slice %arg2[%squeeze3A_414, %dma_start3A_425] : memref<1000000x64xf32, #tpu.memory_space<hbm>> -> memref<1x64xf32, #tpu.memory_space<hbm>>
        tpu.enqueue_dma source(%dma_start3A_426 : memref<1x64xf32, #tpu.memory_space<hbm>>) target(%dma_start3A_424 : memref<1x64xf32, #tpu.memory_space<vmem>>) target_semaphore(%arg10 : memref<!tpu.dma_semaphore, #tpu.memory_space<semaphore_mem>>)
        %slice3A_427 = vector.extract_strided_slice %get3A_246 {offsets = [13], sizes = [1], strides = [1]} : vector<16xi32> to vector<1xi32>
        %squeeze3A_428 = vector.extract %slice3A_427[0] : i32 from vector<1xi32>
        %mul3A_429 = arith.constant 16 : i32
        %mul3A_430 = arith.muli %scan3A_243, %mul3A_429 : i32
        %add3A_431 = arith.constant 13 : i32
        %add3A_432 = arith.addi %mul3A_430, %add3A_431 : i32
        %dma_start3A_433 = arith.constant 0 : i32
        %dma_start3A_434 = tpu.memref_slice %arg8[%add3A_432, %dma_start3A_433] : memref<256x64xf32, #tpu.memory_space<vmem>> -> memref<1x64xf32, #tpu.memory_space<vmem>>
        %dma_start3A_435 = arith.constant 0 : i32
        %dma_start3A_436 = tpu.memref_slice %arg2[%squeeze3A_428, %dma_start3A_435] : memref<1000000x64xf32, #tpu.memory_space<hbm>> -> memref<1x64xf32, #tpu.memory_space<hbm>>
        %dma_start3A_437 = arith.constant 0 : i32
        %dma_start3A_438 = tpu.memref_slice %arg8[%add3A_432, %dma_start3A_437] : memref<256x64xf32, #tpu.memory_space<vmem>> -> memref<1x64xf32, #tpu.memory_space<vmem>>
        %dma_start3A_439 = arith.constant 0 : i32
        %dma_start3A_440 = tpu.memref_slice %arg2[%squeeze3A_428, %dma_start3A_439] : memref<1000000x64xf32, #tpu.memory_space<hbm>> -> memref<1x64xf32, #tpu.memory_space<hbm>>
        tpu.enqueue_dma source(%dma_start3A_440 : memref<1x64xf32, #tpu.memory_space<hbm>>) target(%dma_start3A_438 : memref<1x64xf32, #tpu.memory_space<vmem>>) target_semaphore(%arg10 : memref<!tpu.dma_semaphore, #tpu.memory_space<semaphore_mem>>)
        %slice3A_441 = vector.extract_strided_slice %get3A_246 {offsets = [14], sizes = [1], strides = [1]} : vector<16xi32> to vector<1xi32>
        %squeeze3A_442 = vector.extract %slice3A_441[0] : i32 from vector<1xi32>
        %mul3A_443 = arith.constant 16 : i32
        %mul3A_444 = arith.muli %scan3A_243, %mul3A_443 : i32
        %add3A_445 = arith.constant 14 : i32
        %add3A_446 = arith.addi %mul3A_444, %add3A_445 : i32
        %dma_start3A_447 = arith.constant 0 : i32
        %dma_start3A_448 = tpu.memref_slice %arg8[%add3A_446, %dma_start3A_447] : memref<256x64xf32, #tpu.memory_space<vmem>> -> memref<1x64xf32, #tpu.memory_space<vmem>>
        %dma_start3A_449 = arith.constant 0 : i32
        %dma_start3A_450 = tpu.memref_slice %arg2[%squeeze3A_442, %dma_start3A_449] : memref<1000000x64xf32, #tpu.memory_space<hbm>> -> memref<1x64xf32, #tpu.memory_space<hbm>>
        %dma_start3A_451 = arith.constant 0 : i32
        %dma_start3A_452 = tpu.memref_slice %arg8[%add3A_446, %dma_start3A_451] : memref<256x64xf32, #tpu.memory_space<vmem>> -> memref<1x64xf32, #tpu.memory_space<vmem>>
        %dma_start3A_453 = arith.constant 0 : i32
        %dma_start3A_454 = tpu.memref_slice %arg2[%squeeze3A_442, %dma_start3A_453] : memref<1000000x64xf32, #tpu.memory_space<hbm>> -> memref<1x64xf32, #tpu.memory_space<hbm>>
        tpu.enqueue_dma source(%dma_start3A_454 : memref<1x64xf32, #tpu.memory_space<hbm>>) target(%dma_start3A_452 : memref<1x64xf32, #tpu.memory_space<vmem>>) target_semaphore(%arg10 : memref<!tpu.dma_semaphore, #tpu.memory_space<semaphore_mem>>)
        %slice3A_455 = vector.extract_strided_slice %get3A_246 {offsets = [15], sizes = [1], strides = [1]} : vector<16xi32> to vector<1xi32>
        %squeeze3A_456 = vector.extract %slice3A_455[0] : i32 from vector<1xi32>
        %mul3A_457 = arith.constant 16 : i32
        %mul3A_458 = arith.muli %scan3A_243, %mul3A_457 : i32
        %add3A_459 = arith.constant 15 : i32
        %add3A_460 = arith.addi %mul3A_458, %add3A_459 : i32
        %dma_start3A_461 = arith.constant 0 : i32
        %dma_start3A_462 = tpu.memref_slice %arg8[%add3A_460, %dma_start3A_461] : memref<256x64xf32, #tpu.memory_space<vmem>> -> memref<1x64xf32, #tpu.memory_space<vmem>>
        %dma_start3A_463 = arith.constant 0 : i32
        %dma_start3A_464 = tpu.memref_slice %arg2[%squeeze3A_456, %dma_start3A_463] : memref<1000000x64xf32, #tpu.memory_space<hbm>> -> memref<1x64xf32, #tpu.memory_space<hbm>>
        %dma_start3A_465 = arith.constant 0 : i32
        %dma_start3A_466 = tpu.memref_slice %arg8[%add3A_460, %dma_start3A_465] : memref<256x64xf32, #tpu.memory_space<vmem>> -> memref<1x64xf32, #tpu.memory_space<vmem>>
        %dma_start3A_467 = arith.constant 0 : i32
        %dma_start3A_468 = tpu.memref_slice %arg2[%squeeze3A_456, %dma_start3A_467] : memref<1000000x64xf32, #tpu.memory_space<hbm>> -> memref<1x64xf32, #tpu.memory_space<hbm>>
        tpu.enqueue_dma source(%dma_start3A_468 : memref<1x64xf32, #tpu.memory_space<hbm>>) target(%dma_start3A_466 : memref<1x64xf32, #tpu.memory_space<vmem>>) target_semaphore(%arg10 : memref<!tpu.dma_semaphore, #tpu.memory_space<semaphore_mem>>)
      }
      %scan3A_126 = arith.constant 16 : i32
      %add3A_127 = arith.addi %mul3A_2, %mul3A_70 : i32
      %jit3A_128 = arith.constant 4 : i32
      %div3A_129 = arith.divsi %add3A_127, %jit3A_128 : i32
      %sign3A_130 = arith.constant 0 : i32
      %sign3A_131 = arith.cmpi sgt, %add3A_127, %sign3A_130 : i32
      %sign3A_132 = arith.extui %sign3A_131 : i1 to i32
      %sign3A_133 = arith.constant 0 : i32
      %sign3A_134 = arith.cmpi slt, %add3A_127, %sign3A_133 : i32
      %sign3A_135 = arith.extui %sign3A_134 : i1 to i32
      %sign3A_136 = arith.subi %sign3A_132, %sign3A_135 : i32
      %sign3A_137 = arith.constant 0 : i32
      %sign3A_138 = arith.cmpi sgt, %jit3A_128, %sign3A_137 : i32
      %sign3A_139 = arith.extui %sign3A_138 : i1 to i32
      %sign3A_140 = arith.constant 0 : i32
      %sign3A_141 = arith.cmpi slt, %jit3A_128, %sign3A_140 : i32
      %sign3A_142 = arith.extui %sign3A_141 : i1 to i32
      %sign3A_143 = arith.subi %sign3A_139, %sign3A_142 : i32
      %ne3A_144 = arith.cmpi ne, %sign3A_136, %sign3A_143 : i32
      %rem3A_145 = arith.remsi %add3A_127, %jit3A_128 : i32
      %ne3A_146 = arith.constant 0 : i32
      %ne3A_147 = arith.cmpi ne, %rem3A_145, %ne3A_146 : i32
      %and3A_148 = arith.andi %ne3A_144, %ne3A_147 : i1
      %sub3A_149 = arith.constant 1 : i32
      %sub3A_150 = arith.subi %div3A_129, %sub3A_149 : i32
      %select_n3A_151 = arith.select %and3A_148, %sub3A_150, %div3A_129 : i32
      %jit3A_152 = arith.constant 4 : i32
      %eq3A_153 = arith.constant 0 : i32
      %eq3A_154 = arith.cmpi eq, %jit3A_152, %eq3A_153 : i32
      %jit3A_155 = arith.constant 1 : i32
      %select_n3A_156 = arith.select %eq3A_154, %jit3A_155, %jit3A_152 : i32
      %rem3A_157 = arith.remsi %add3A_127, %select_n3A_156 : i32
      %ne3A_158 = arith.constant 0 : i32
      %ne3A_159 = arith.cmpi ne, %rem3A_157, %ne3A_158 : i32
      %lt3A_160 = arith.constant 0 : i32
      %lt3A_161 = arith.cmpi slt, %rem3A_157, %lt3A_160 : i32
      %lt3A_162 = arith.constant 0 : i32
      %lt3A_163 = arith.cmpi slt, %select_n3A_156, %lt3A_162 : i32
      %ne3A_164 = arith.xori %lt3A_161, %lt3A_163 : i1
      %and3A_165 = arith.andi %ne3A_164, %ne3A_159 : i1
      %add3A_166 = arith.addi %rem3A_157, %select_n3A_156 : i32
      %select_n3A_167 = arith.select %and3A_165, %add3A_166, %rem3A_157 : i32
      %dma_wait3A_168 = arith.constant 0 : i32
      %dma_wait3A_169 = arith.constant 0 : i32
      %dma_wait3A_170 = tpu.memref_slice %arg2[%dma_wait3A_168, %dma_wait3A_169] : memref<1000000x64xf32, #tpu.memory_space<hbm>> -> memref<256x64xf32, #tpu.memory_space<hbm>>
      %dma_wait3A_171 = arith.constant 0 : i32
      %dma_wait3A_172 = arith.constant 0 : i32
      %dma_wait3A_173 = tpu.memref_slice %arg2[%dma_wait3A_171, %dma_wait3A_172] : memref<1000000x64xf32, #tpu.memory_space<hbm>> -> memref<256x64xf32, #tpu.memory_space<hbm>>
      tpu.wait_dma2 semaphore(%arg9 : memref<!tpu.dma_semaphore, #tpu.memory_space<semaphore_mem>>) src(%dma_wait3A_173 : memref<256x64xf32, #tpu.memory_space<hbm>>) dst(%arg7 : memref<256x64xf32, #tpu.memory_space<vmem>>)
      %mul3A_174 = arith.constant 256 : i32
      %mul3A_175 = arith.muli %select_n3A_167, %mul3A_174 : i32
      %dma_start3A = arith.constant 0 : i32
      %dma_start3A_176 = tpu.memref_slice %arg4[%mul3A_175, %select_n3A_151, %dma_start3A] : memref<1024x400x64xf32, #tpu.memory_space<hbm>> -> memref<256x1x64xf32, #tpu.memory_space<hbm>>
      %dma_start3A_177 = tpu.memref_squeeze %dma_start3A_176 : memref<256x1x64xf32, #tpu.memory_space<hbm>> -> memref<256x64xf32, #tpu.memory_space<hbm>>
      %dma_start3A_178 = arith.constant 0 : i32
      %dma_start3A_179 = tpu.memref_slice %arg4[%mul3A_175, %select_n3A_151, %dma_start3A_178] : memref<1024x400x64xf32, #tpu.memory_space<hbm>> -> memref<256x1x64xf32, #tpu.memory_space<hbm>>
      %dma_start3A_180 = tpu.memref_squeeze %dma_start3A_179 : memref<256x1x64xf32, #tpu.memory_space<hbm>> -> memref<256x64xf32, #tpu.memory_space<hbm>>
      tpu.enqueue_dma source(%arg7 : memref<256x64xf32, #tpu.memory_space<vmem>>) target(%dma_start3A_180 : memref<256x64xf32, #tpu.memory_space<hbm>>) target_semaphore(%arg11 : memref<!tpu.dma_semaphore, #tpu.memory_space<semaphore_mem>>)
      %lt3A_181 = arith.constant 24 : i32
      %lt3A_182 = arith.cmpi slt, %scan3A_68, %lt3A_181 : i32
      %convert_element_type3A_183 = arith.extui %lt3A_182 : i1 to i32
      %cond3A_184 = arith.constant 0 : i32
      %cond3A_185 = arith.cmpi ne, %convert_element_type3A_183, %cond3A_184 : i32
      scf.if %cond3A_185 {
        %add3A_243 = arith.constant 2 : i32
        %add3A_244 = arith.addi %mul3A_70, %add3A_243 : i32
        %add3A_245 = arith.addi %mul3A_2, %add3A_244 : i32
        %jit3A_246 = arith.constant 4 : i32
        %div3A_247 = arith.divsi %add3A_245, %jit3A_246 : i32
        %sign3A_248 = arith.constant 0 : i32
        %sign3A_249 = arith.cmpi sgt, %add3A_245, %sign3A_248 : i32
        %sign3A_250 = arith.extui %sign3A_249 : i1 to i32
        %sign3A_251 = arith.constant 0 : i32
        %sign3A_252 = arith.cmpi slt, %add3A_245, %sign3A_251 : i32
        %sign3A_253 = arith.extui %sign3A_252 : i1 to i32
        %sign3A_254 = arith.subi %sign3A_250, %sign3A_253 : i32
        %sign3A_255 = arith.constant 0 : i32
        %sign3A_256 = arith.cmpi sgt, %jit3A_246, %sign3A_255 : i32
        %sign3A_257 = arith.extui %sign3A_256 : i1 to i32
        %sign3A_258 = arith.constant 0 : i32
        %sign3A_259 = arith.cmpi slt, %jit3A_246, %sign3A_258 : i32
        %sign3A_260 = arith.extui %sign3A_259 : i1 to i32
        %sign3A_261 = arith.subi %sign3A_257, %sign3A_260 : i32
        %ne3A_262 = arith.cmpi ne, %sign3A_254, %sign3A_261 : i32
        %rem3A_263 = arith.remsi %add3A_245, %jit3A_246 : i32
        %ne3A_264 = arith.constant 0 : i32
        %ne3A_265 = arith.cmpi ne, %rem3A_263, %ne3A_264 : i32
        %and3A_266 = arith.andi %ne3A_262, %ne3A_265 : i1
        %sub3A_267 = arith.constant 1 : i32
        %sub3A_268 = arith.subi %div3A_247, %sub3A_267 : i32
        %select_n3A_269 = arith.select %and3A_266, %sub3A_268, %div3A_247 : i32
        %jit3A_270 = arith.constant 4 : i32
        %eq3A_271 = arith.constant 0 : i32
        %eq3A_272 = arith.cmpi eq, %jit3A_270, %eq3A_271 : i32
        %jit3A_273 = arith.constant 1 : i32
        %select_n3A_274 = arith.select %eq3A_272, %jit3A_273, %jit3A_270 : i32
        %rem3A_275 = arith.remsi %add3A_245, %select_n3A_274 : i32
        %ne3A_276 = arith.constant 0 : i32
        %ne3A_277 = arith.cmpi ne, %rem3A_275, %ne3A_276 : i32
        %lt3A_278 = arith.constant 0 : i32
        %lt3A_279 = arith.cmpi slt, %rem3A_275, %lt3A_278 : i32
        %lt3A_280 = arith.constant 0 : i32
        %lt3A_281 = arith.cmpi slt, %select_n3A_274, %lt3A_280 : i32
        %ne3A_282 = arith.xori %lt3A_279, %lt3A_281 : i1
        %and3A_283 = arith.andi %ne3A_282, %ne3A_277 : i1
        %add3A_284 = arith.addi %rem3A_275, %select_n3A_274 : i32
        %select_n3A_285 = arith.select %and3A_283, %add3A_284, %rem3A_275 : i32
        %mul3A_286 = arith.constant 1024 : i32
        %mul3A_287 = arith.muli %select_n3A_269, %mul3A_286 : i32
        %mul3A_288 = arith.constant 256 : i32
        %mul3A_289 = arith.muli %select_n3A_285, %mul3A_288 : i32
        %add3A_290 = arith.addi %mul3A_287, %mul3A_289 : i32
        "tpu.region"() ({
          %run_scoped3A = tpu.sem_alloc : memref<!tpu.dma_semaphore, #tpu.memory_space<semaphore_mem>>
          %dma_start3A_302 = tpu.memref_slice %arg3[%add3A_290] : memref<409600xi32, #tpu.memory_space<hbm>> -> memref<256xi32, #tpu.memory_space<hbm>>
          %dma_start3A_303 = tpu.memref_slice %arg3[%add3A_290] : memref<409600xi32, #tpu.memory_space<hbm>> -> memref<256xi32, #tpu.memory_space<hbm>>
          tpu.enqueue_dma source(%dma_start3A_303 : memref<256xi32, #tpu.memory_space<hbm>>) target(%arg5 : memref<256xi32, #tpu.memory_space<vmem>>) target_semaphore(%run_scoped3A : memref<!tpu.dma_semaphore, #tpu.memory_space<semaphore_mem>>)
          %dma_wait3A_304 = tpu.memref_slice %arg3[%add3A_290] : memref<409600xi32, #tpu.memory_space<hbm>> -> memref<256xi32, #tpu.memory_space<hbm>>
          %dma_wait3A_305 = tpu.memref_slice %arg3[%add3A_290] : memref<409600xi32, #tpu.memory_space<hbm>> -> memref<256xi32, #tpu.memory_space<hbm>>
          tpu.wait_dma2 semaphore(%run_scoped3A : memref<!tpu.dma_semaphore, #tpu.memory_space<semaphore_mem>>) src(%dma_wait3A_305 : memref<256xi32, #tpu.memory_space<hbm>>) dst(%arg5 : memref<256xi32, #tpu.memory_space<vmem>>)
          tpu.yield
        }) : () -> ()
        %ge3A_291 = arith.constant 2 : i32
        %ge3A_292 = arith.cmpi sge, %add3A_244, %ge3A_291 : i32
        %convert_element_type3A_293 = arith.extui %ge3A_292 : i1 to i32
        %cond3A_294 = arith.constant 0 : i32
        %cond3A_295 = arith.cmpi ne, %convert_element_type3A_293, %cond3A_294 : i32
        scf.if %cond3A_295 {
          %dma_wait3A_302 = arith.constant 0 : i32
          %dma_wait3A_303 = arith.constant 0 : i32
          %dma_wait3A_304 = arith.constant 0 : i32
          %dma_wait3A_305 = tpu.memref_slice %arg4[%dma_wait3A_303, %dma_wait3A_302, %dma_wait3A_304] : memref<1024x400x64xf32, #tpu.memory_space<hbm>> -> memref<256x1x64xf32, #tpu.memory_space<hbm>>
          %dma_wait3A_306 = tpu.memref_squeeze %dma_wait3A_305 : memref<256x1x64xf32, #tpu.memory_space<hbm>> -> memref<256x64xf32, #tpu.memory_space<hbm>>
          %dma_wait3A_307 = arith.constant 0 : i32
          %dma_wait3A_308 = arith.constant 0 : i32
          %dma_wait3A_309 = tpu.memref_slice %arg4[%dma_wait3A_307, %dma_wait3A_302, %dma_wait3A_308] : memref<1024x400x64xf32, #tpu.memory_space<hbm>> -> memref<256x1x64xf32, #tpu.memory_space<hbm>>
          %dma_wait3A_310 = tpu.memref_squeeze %dma_wait3A_309 : memref<256x1x64xf32, #tpu.memory_space<hbm>> -> memref<256x64xf32, #tpu.memory_space<hbm>>
          tpu.wait_dma2 semaphore(%arg11 : memref<!tpu.dma_semaphore, #tpu.memory_space<semaphore_mem>>) src(%arg7 : memref<256x64xf32, #tpu.memory_space<vmem>>) dst(%dma_wait3A_310 : memref<256x64xf32, #tpu.memory_space<hbm>>)
        } else {
        }
        %scan3A_296 = arith.constant 0 : i32
        %scan3A_297 = arith.constant 0 : i32
        %scan3A_298 = arith.constant 16 : i32
        %scan3A_299 = arith.addi %scan3A_297, %scan3A_298 : i32
        %scan3A_300 = arith.constant 1 : i32
        scf.for %scan3A_302 = %scan3A_297 to %scan3A_299 step %scan3A_300  : i32 {
          %mul3A_303 = arith.constant 16 : i32
          %mul3A_304 = arith.muli %scan3A_302, %mul3A_303 : i32
          %get3A = arith.index_cast %mul3A_304 : i32 to index
          %get3A_305 = tpu.vector_load %arg5[%get3A] {strides = array<i32>} : memref<256xi32, #tpu.memory_space<vmem>>, vector<16xi32>,
          %slice3A = vector.extract_strided_slice %get3A_305 {offsets = [0], sizes = [1], strides = [1]} : vector<16xi32> to vector<1xi32>
          %squeeze3A = vector.extract %slice3A[0] : i32 from vector<1xi32>
          %mul3A_306 = arith.constant 16 : i32
          %mul3A_307 = arith.muli %scan3A_302, %mul3A_306 : i32
          %add3A_308 = arith.constant 0 : i32
          %add3A_309 = arith.addi %mul3A_307, %add3A_308 : i32
          %dma_start3A_310 = arith.constant 0 : i32
          %dma_start3A_311 = tpu.memref_slice %arg7[%add3A_309, %dma_start3A_310] : memref<256x64xf32, #tpu.memory_space<vmem>> -> memref<1x64xf32, #tpu.memory_space<vmem>>
          %dma_start3A_312 = arith.constant 0 : i32
          %dma_start3A_313 = tpu.memref_slice %arg2[%squeeze3A, %dma_start3A_312] : memref<1000000x64xf32, #tpu.memory_space<hbm>> -> memref<1x64xf32, #tpu.memory_space<hbm>>
          %dma_start3A_314 = arith.constant 0 : i32
          %dma_start3A_315 = tpu.memref_slice %arg7[%add3A_309, %dma_start3A_314] : memref<256x64xf32, #tpu.memory_space<vmem>> -> memref<1x64xf32, #tpu.memory_space<vmem>>
          %dma_start3A_316 = arith.constant 0 : i32
          %dma_start3A_317 = tpu.memref_slice %arg2[%squeeze3A, %dma_start3A_316] : memref<1000000x64xf32, #tpu.memory_space<hbm>> -> memref<1x64xf32, #tpu.memory_space<hbm>>
          tpu.enqueue_dma source(%dma_start3A_317 : memref<1x64xf32, #tpu.memory_space<hbm>>) target(%dma_start3A_315 : memref<1x64xf32, #tpu.memory_space<vmem>>) target_semaphore(%arg9 : memref<!tpu.dma_semaphore, #tpu.memory_space<semaphore_mem>>)
          %slice3A_318 = vector.extract_strided_slice %get3A_305 {offsets = [1], sizes = [1], strides = [1]} : vector<16xi32> to vector<1xi32>
          %squeeze3A_319 = vector.extract %slice3A_318[0] : i32 from vector<1xi32>
          %mul3A_320 = arith.constant 16 : i32
          %mul3A_321 = arith.muli %scan3A_302, %mul3A_320 : i32
          %add3A_322 = arith.constant 1 : i32
          %add3A_323 = arith.addi %mul3A_321, %add3A_322 : i32
          %dma_start3A_324 = arith.constant 0 : i32
          %dma_start3A_325 = tpu.memref_slice %arg7[%add3A_323, %dma_start3A_324] : memref<256x64xf32, #tpu.memory_space<vmem>> -> memref<1x64xf32, #tpu.memory_space<vmem>>
          %dma_start3A_326 = arith.constant 0 : i32
          %dma_start3A_327 = tpu.memref_slice %arg2[%squeeze3A_319, %dma_start3A_326] : memref<1000000x64xf32, #tpu.memory_space<hbm>> -> memref<1x64xf32, #tpu.memory_space<hbm>>
          %dma_start3A_328 = arith.constant 0 : i32
          %dma_start3A_329 = tpu.memref_slice %arg7[%add3A_323, %dma_start3A_328] : memref<256x64xf32, #tpu.memory_space<vmem>> -> memref<1x64xf32, #tpu.memory_space<vmem>>
          %dma_start3A_330 = arith.constant 0 : i32
          %dma_start3A_331 = tpu.memref_slice %arg2[%squeeze3A_319, %dma_start3A_330] : memref<1000000x64xf32, #tpu.memory_space<hbm>> -> memref<1x64xf32, #tpu.memory_space<hbm>>
          tpu.enqueue_dma source(%dma_start3A_331 : memref<1x64xf32, #tpu.memory_space<hbm>>) target(%dma_start3A_329 : memref<1x64xf32, #tpu.memory_space<vmem>>) target_semaphore(%arg9 : memref<!tpu.dma_semaphore, #tpu.memory_space<semaphore_mem>>)
          %slice3A_332 = vector.extract_strided_slice %get3A_305 {offsets = [2], sizes = [1], strides = [1]} : vector<16xi32> to vector<1xi32>
          %squeeze3A_333 = vector.extract %slice3A_332[0] : i32 from vector<1xi32>
          %mul3A_334 = arith.constant 16 : i32
          %mul3A_335 = arith.muli %scan3A_302, %mul3A_334 : i32
          %add3A_336 = arith.constant 2 : i32
          %add3A_337 = arith.addi %mul3A_335, %add3A_336 : i32
          %dma_start3A_338 = arith.constant 0 : i32
          %dma_start3A_339 = tpu.memref_slice %arg7[%add3A_337, %dma_start3A_338] : memref<256x64xf32, #tpu.memory_space<vmem>> -> memref<1x64xf32, #tpu.memory_space<vmem>>
          %dma_start3A_340 = arith.constant 0 : i32
          %dma_start3A_341 = tpu.memref_slice %arg2[%squeeze3A_333, %dma_start3A_340] : memref<1000000x64xf32, #tpu.memory_space<hbm>> -> memref<1x64xf32, #tpu.memory_space<hbm>>
          %dma_start3A_342 = arith.constant 0 : i32
          %dma_start3A_343 = tpu.memref_slice %arg7[%add3A_337, %dma_start3A_342] : memref<256x64xf32, #tpu.memory_space<vmem>> -> memref<1x64xf32, #tpu.memory_space<vmem>>
          %dma_start3A_344 = arith.constant 0 : i32
          %dma_start3A_345 = tpu.memref_slice %arg2[%squeeze3A_333, %dma_start3A_344] : memref<1000000x64xf32, #tpu.memory_space<hbm>> -> memref<1x64xf32, #tpu.memory_space<hbm>>
          tpu.enqueue_dma source(%dma_start3A_345 : memref<1x64xf32, #tpu.memory_space<hbm>>) target(%dma_start3A_343 : memref<1x64xf32, #tpu.memory_space<vmem>>) target_semaphore(%arg9 : memref<!tpu.dma_semaphore, #tpu.memory_space<semaphore_mem>>)
          %slice3A_346 = vector.extract_strided_slice %get3A_305 {offsets = [3], sizes = [1], strides = [1]} : vector<16xi32> to vector<1xi32>
          %squeeze3A_347 = vector.extract %slice3A_346[0] : i32 from vector<1xi32>
          %mul3A_348 = arith.constant 16 : i32
          %mul3A_349 = arith.muli %scan3A_302, %mul3A_348 : i32
          %add3A_350 = arith.constant 3 : i32
          %add3A_351 = arith.addi %mul3A_349, %add3A_350 : i32
          %dma_start3A_352 = arith.constant 0 : i32
          %dma_start3A_353 = tpu.memref_slice %arg7[%add3A_351, %dma_start3A_352] : memref<256x64xf32, #tpu.memory_space<vmem>> -> memref<1x64xf32, #tpu.memory_space<vmem>>
          %dma_start3A_354 = arith.constant 0 : i32
          %dma_start3A_355 = tpu.memref_slice %arg2[%squeeze3A_347, %dma_start3A_354] : memref<1000000x64xf32, #tpu.memory_space<hbm>> -> memref<1x64xf32, #tpu.memory_space<hbm>>
          %dma_start3A_356 = arith.constant 0 : i32
          %dma_start3A_357 = tpu.memref_slice %arg7[%add3A_351, %dma_start3A_356] : memref<256x64xf32, #tpu.memory_space<vmem>> -> memref<1x64xf32, #tpu.memory_space<vmem>>
          %dma_start3A_358 = arith.constant 0 : i32
          %dma_start3A_359 = tpu.memref_slice %arg2[%squeeze3A_347, %dma_start3A_358] : memref<1000000x64xf32, #tpu.memory_space<hbm>> -> memref<1x64xf32, #tpu.memory_space<hbm>>
          tpu.enqueue_dma source(%dma_start3A_359 : memref<1x64xf32, #tpu.memory_space<hbm>>) target(%dma_start3A_357 : memref<1x64xf32, #tpu.memory_space<vmem>>) target_semaphore(%arg9 : memref<!tpu.dma_semaphore, #tpu.memory_space<semaphore_mem>>)
          %slice3A_360 = vector.extract_strided_slice %get3A_305 {offsets = [4], sizes = [1], strides = [1]} : vector<16xi32> to vector<1xi32>
          %squeeze3A_361 = vector.extract %slice3A_360[0] : i32 from vector<1xi32>
          %mul3A_362 = arith.constant 16 : i32
          %mul3A_363 = arith.muli %scan3A_302, %mul3A_362 : i32
          %add3A_364 = arith.constant 4 : i32
          %add3A_365 = arith.addi %mul3A_363, %add3A_364 : i32
          %dma_start3A_366 = arith.constant 0 : i32
          %dma_start3A_367 = tpu.memref_slice %arg7[%add3A_365, %dma_start3A_366] : memref<256x64xf32, #tpu.memory_space<vmem>> -> memref<1x64xf32, #tpu.memory_space<vmem>>
          %dma_start3A_368 = arith.constant 0 : i32
          %dma_start3A_369 = tpu.memref_slice %arg2[%squeeze3A_361, %dma_start3A_368] : memref<1000000x64xf32, #tpu.memory_space<hbm>> -> memref<1x64xf32, #tpu.memory_space<hbm>>
          %dma_start3A_370 = arith.constant 0 : i32
          %dma_start3A_371 = tpu.memref_slice %arg7[%add3A_365, %dma_start3A_370] : memref<256x64xf32, #tpu.memory_space<vmem>> -> memref<1x64xf32, #tpu.memory_space<vmem>>
          %dma_start3A_372 = arith.constant 0 : i32
          %dma_start3A_373 = tpu.memref_slice %arg2[%squeeze3A_361, %dma_start3A_372] : memref<1000000x64xf32, #tpu.memory_space<hbm>> -> memref<1x64xf32, #tpu.memory_space<hbm>>
          tpu.enqueue_dma source(%dma_start3A_373 : memref<1x64xf32, #tpu.memory_space<hbm>>) target(%dma_start3A_371 : memref<1x64xf32, #tpu.memory_space<vmem>>) target_semaphore(%arg9 : memref<!tpu.dma_semaphore, #tpu.memory_space<semaphore_mem>>)
          %slice3A_374 = vector.extract_strided_slice %get3A_305 {offsets = [5], sizes = [1], strides = [1]} : vector<16xi32> to vector<1xi32>
          %squeeze3A_375 = vector.extract %slice3A_374[0] : i32 from vector<1xi32>
          %mul3A_376 = arith.constant 16 : i32
          %mul3A_377 = arith.muli %scan3A_302, %mul3A_376 : i32
          %add3A_378 = arith.constant 5 : i32
          %add3A_379 = arith.addi %mul3A_377, %add3A_378 : i32
          %dma_start3A_380 = arith.constant 0 : i32
          %dma_start3A_381 = tpu.memref_slice %arg7[%add3A_379, %dma_start3A_380] : memref<256x64xf32, #tpu.memory_space<vmem>> -> memref<1x64xf32, #tpu.memory_space<vmem>>
          %dma_start3A_382 = arith.constant 0 : i32
          %dma_start3A_383 = tpu.memref_slice %arg2[%squeeze3A_375, %dma_start3A_382] : memref<1000000x64xf32, #tpu.memory_space<hbm>> -> memref<1x64xf32, #tpu.memory_space<hbm>>
          %dma_start3A_384 = arith.constant 0 : i32
          %dma_start3A_385 = tpu.memref_slice %arg7[%add3A_379, %dma_start3A_384] : memref<256x64xf32, #tpu.memory_space<vmem>> -> memref<1x64xf32, #tpu.memory_space<vmem>>
          %dma_start3A_386 = arith.constant 0 : i32
          %dma_start3A_387 = tpu.memref_slice %arg2[%squeeze3A_375, %dma_start3A_386] : memref<1000000x64xf32, #tpu.memory_space<hbm>> -> memref<1x64xf32, #tpu.memory_space<hbm>>
          tpu.enqueue_dma source(%dma_start3A_387 : memref<1x64xf32, #tpu.memory_space<hbm>>) target(%dma_start3A_385 : memref<1x64xf32, #tpu.memory_space<vmem>>) target_semaphore(%arg9 : memref<!tpu.dma_semaphore, #tpu.memory_space<semaphore_mem>>)
          %slice3A_388 = vector.extract_strided_slice %get3A_305 {offsets = [6], sizes = [1], strides = [1]} : vector<16xi32> to vector<1xi32>
          %squeeze3A_389 = vector.extract %slice3A_388[0] : i32 from vector<1xi32>
          %mul3A_390 = arith.constant 16 : i32
          %mul3A_391 = arith.muli %scan3A_302, %mul3A_390 : i32
          %add3A_392 = arith.constant 6 : i32
          %add3A_393 = arith.addi %mul3A_391, %add3A_392 : i32
          %dma_start3A_394 = arith.constant 0 : i32
          %dma_start3A_395 = tpu.memref_slice %arg7[%add3A_393, %dma_start3A_394] : memref<256x64xf32, #tpu.memory_space<vmem>> -> memref<1x64xf32, #tpu.memory_space<vmem>>
          %dma_start3A_396 = arith.constant 0 : i32
          %dma_start3A_397 = tpu.memref_slice %arg2[%squeeze3A_389, %dma_start3A_396] : memref<1000000x64xf32, #tpu.memory_space<hbm>> -> memref<1x64xf32, #tpu.memory_space<hbm>>
          %dma_start3A_398 = arith.constant 0 : i32
          %dma_start3A_399 = tpu.memref_slice %arg7[%add3A_393, %dma_start3A_398] : memref<256x64xf32, #tpu.memory_space<vmem>> -> memref<1x64xf32, #tpu.memory_space<vmem>>
          %dma_start3A_400 = arith.constant 0 : i32
          %dma_start3A_401 = tpu.memref_slice %arg2[%squeeze3A_389, %dma_start3A_400] : memref<1000000x64xf32, #tpu.memory_space<hbm>> -> memref<1x64xf32, #tpu.memory_space<hbm>>
          tpu.enqueue_dma source(%dma_start3A_401 : memref<1x64xf32, #tpu.memory_space<hbm>>) target(%dma_start3A_399 : memref<1x64xf32, #tpu.memory_space<vmem>>) target_semaphore(%arg9 : memref<!tpu.dma_semaphore, #tpu.memory_space<semaphore_mem>>)
          %slice3A_402 = vector.extract_strided_slice %get3A_305 {offsets = [7], sizes = [1], strides = [1]} : vector<16xi32> to vector<1xi32>
          %squeeze3A_403 = vector.extract %slice3A_402[0] : i32 from vector<1xi32>
          %mul3A_404 = arith.constant 16 : i32
          %mul3A_405 = arith.muli %scan3A_302, %mul3A_404 : i32
          %add3A_406 = arith.constant 7 : i32
          %add3A_407 = arith.addi %mul3A_405, %add3A_406 : i32
          %dma_start3A_408 = arith.constant 0 : i32
          %dma_start3A_409 = tpu.memref_slice %arg7[%add3A_407, %dma_start3A_408] : memref<256x64xf32, #tpu.memory_space<vmem>> -> memref<1x64xf32, #tpu.memory_space<vmem>>
          %dma_start3A_410 = arith.constant 0 : i32
          %dma_start3A_411 = tpu.memref_slice %arg2[%squeeze3A_403, %dma_start3A_410] : memref<1000000x64xf32, #tpu.memory_space<hbm>> -> memref<1x64xf32, #tpu.memory_space<hbm>>
          %dma_start3A_412 = arith.constant 0 : i32
          %dma_start3A_413 = tpu.memref_slice %arg7[%add3A_407, %dma_start3A_412] : memref<256x64xf32, #tpu.memory_space<vmem>> -> memref<1x64xf32, #tpu.memory_space<vmem>>
          %dma_start3A_414 = arith.constant 0 : i32
          %dma_start3A_415 = tpu.memref_slice %arg2[%squeeze3A_403, %dma_start3A_414] : memref<1000000x64xf32, #tpu.memory_space<hbm>> -> memref<1x64xf32, #tpu.memory_space<hbm>>
          tpu.enqueue_dma source(%dma_start3A_415 : memref<1x64xf32, #tpu.memory_space<hbm>>) target(%dma_start3A_413 : memref<1x64xf32, #tpu.memory_space<vmem>>) target_semaphore(%arg9 : memref<!tpu.dma_semaphore, #tpu.memory_space<semaphore_mem>>)
          %slice3A_416 = vector.extract_strided_slice %get3A_305 {offsets = [8], sizes = [1], strides = [1]} : vector<16xi32> to vector<1xi32>
          %squeeze3A_417 = vector.extract %slice3A_416[0] : i32 from vector<1xi32>
          %mul3A_418 = arith.constant 16 : i32
          %mul3A_419 = arith.muli %scan3A_302, %mul3A_418 : i32
          %add3A_420 = arith.constant 8 : i32
          %add3A_421 = arith.addi %mul3A_419, %add3A_420 : i32
          %dma_start3A_422 = arith.constant 0 : i32
          %dma_start3A_423 = tpu.memref_slice %arg7[%add3A_421, %dma_start3A_422] : memref<256x64xf32, #tpu.memory_space<vmem>> -> memref<1x64xf32, #tpu.memory_space<vmem>>
          %dma_start3A_424 = arith.constant 0 : i32
          %dma_start3A_425 = tpu.memref_slice %arg2[%squeeze3A_417, %dma_start3A_424] : memref<1000000x64xf32, #tpu.memory_space<hbm>> -> memref<1x64xf32, #tpu.memory_space<hbm>>
          %dma_start3A_426 = arith.constant 0 : i32
          %dma_start3A_427 = tpu.memref_slice %arg7[%add3A_421, %dma_start3A_426] : memref<256x64xf32, #tpu.memory_space<vmem>> -> memref<1x64xf32, #tpu.memory_space<vmem>>
          %dma_start3A_428 = arith.constant 0 : i32
          %dma_start3A_429 = tpu.memref_slice %arg2[%squeeze3A_417, %dma_start3A_428] : memref<1000000x64xf32, #tpu.memory_space<hbm>> -> memref<1x64xf32, #tpu.memory_space<hbm>>
          tpu.enqueue_dma source(%dma_start3A_429 : memref<1x64xf32, #tpu.memory_space<hbm>>) target(%dma_start3A_427 : memref<1x64xf32, #tpu.memory_space<vmem>>) target_semaphore(%arg9 : memref<!tpu.dma_semaphore, #tpu.memory_space<semaphore_mem>>)
          %slice3A_430 = vector.extract_strided_slice %get3A_305 {offsets = [9], sizes = [1], strides = [1]} : vector<16xi32> to vector<1xi32>
          %squeeze3A_431 = vector.extract %slice3A_430[0] : i32 from vector<1xi32>
          %mul3A_432 = arith.constant 16 : i32
          %mul3A_433 = arith.muli %scan3A_302, %mul3A_432 : i32
          %add3A_434 = arith.constant 9 : i32
          %add3A_435 = arith.addi %mul3A_433, %add3A_434 : i32
          %dma_start3A_436 = arith.constant 0 : i32
          %dma_start3A_437 = tpu.memref_slice %arg7[%add3A_435, %dma_start3A_436] : memref<256x64xf32, #tpu.memory_space<vmem>> -> memref<1x64xf32, #tpu.memory_space<vmem>>
          %dma_start3A_438 = arith.constant 0 : i32
          %dma_start3A_439 = tpu.memref_slice %arg2[%squeeze3A_431, %dma_start3A_438] : memref<1000000x64xf32, #tpu.memory_space<hbm>> -> memref<1x64xf32, #tpu.memory_space<hbm>>
          %dma_start3A_440 = arith.constant 0 : i32
          %dma_start3A_441 = tpu.memref_slice %arg7[%add3A_435, %dma_start3A_440] : memref<256x64xf32, #tpu.memory_space<vmem>> -> memref<1x64xf32, #tpu.memory_space<vmem>>
          %dma_start3A_442 = arith.constant 0 : i32
          %dma_start3A_443 = tpu.memref_slice %arg2[%squeeze3A_431, %dma_start3A_442] : memref<1000000x64xf32, #tpu.memory_space<hbm>> -> memref<1x64xf32, #tpu.memory_space<hbm>>
          tpu.enqueue_dma source(%dma_start3A_443 : memref<1x64xf32, #tpu.memory_space<hbm>>) target(%dma_start3A_441 : memref<1x64xf32, #tpu.memory_space<vmem>>) target_semaphore(%arg9 : memref<!tpu.dma_semaphore, #tpu.memory_space<semaphore_mem>>)
          %slice3A_444 = vector.extract_strided_slice %get3A_305 {offsets = [10], sizes = [1], strides = [1]} : vector<16xi32> to vector<1xi32>
          %squeeze3A_445 = vector.extract %slice3A_444[0] : i32 from vector<1xi32>
          %mul3A_446 = arith.constant 16 : i32
          %mul3A_447 = arith.muli %scan3A_302, %mul3A_446 : i32
          %add3A_448 = arith.constant 10 : i32
          %add3A_449 = arith.addi %mul3A_447, %add3A_448 : i32
          %dma_start3A_450 = arith.constant 0 : i32
          %dma_start3A_451 = tpu.memref_slice %arg7[%add3A_449, %dma_start3A_450] : memref<256x64xf32, #tpu.memory_space<vmem>> -> memref<1x64xf32, #tpu.memory_space<vmem>>
          %dma_start3A_452 = arith.constant 0 : i32
          %dma_start3A_453 = tpu.memref_slice %arg2[%squeeze3A_445, %dma_start3A_452] : memref<1000000x64xf32, #tpu.memory_space<hbm>> -> memref<1x64xf32, #tpu.memory_space<hbm>>
          %dma_start3A_454 = arith.constant 0 : i32
          %dma_start3A_455 = tpu.memref_slice %arg7[%add3A_449, %dma_start3A_454] : memref<256x64xf32, #tpu.memory_space<vmem>> -> memref<1x64xf32, #tpu.memory_space<vmem>>
          %dma_start3A_456 = arith.constant 0 : i32
          %dma_start3A_457 = tpu.memref_slice %arg2[%squeeze3A_445, %dma_start3A_456] : memref<1000000x64xf32, #tpu.memory_space<hbm>> -> memref<1x64xf32, #tpu.memory_space<hbm>>
          tpu.enqueue_dma source(%dma_start3A_457 : memref<1x64xf32, #tpu.memory_space<hbm>>) target(%dma_start3A_455 : memref<1x64xf32, #tpu.memory_space<vmem>>) target_semaphore(%arg9 : memref<!tpu.dma_semaphore, #tpu.memory_space<semaphore_mem>>)
          %slice3A_458 = vector.extract_strided_slice %get3A_305 {offsets = [11], sizes = [1], strides = [1]} : vector<16xi32> to vector<1xi32>
          %squeeze3A_459 = vector.extract %slice3A_458[0] : i32 from vector<1xi32>
          %mul3A_460 = arith.constant 16 : i32
          %mul3A_461 = arith.muli %scan3A_302, %mul3A_460 : i32
          %add3A_462 = arith.constant 11 : i32
          %add3A_463 = arith.addi %mul3A_461, %add3A_462 : i32
          %dma_start3A_464 = arith.constant 0 : i32
          %dma_start3A_465 = tpu.memref_slice %arg7[%add3A_463, %dma_start3A_464] : memref<256x64xf32, #tpu.memory_space<vmem>> -> memref<1x64xf32, #tpu.memory_space<vmem>>
          %dma_start3A_466 = arith.constant 0 : i32
          %dma_start3A_467 = tpu.memref_slice %arg2[%squeeze3A_459, %dma_start3A_466] : memref<1000000x64xf32, #tpu.memory_space<hbm>> -> memref<1x64xf32, #tpu.memory_space<hbm>>
          %dma_start3A_468 = arith.constant 0 : i32
          %dma_start3A_469 = tpu.memref_slice %arg7[%add3A_463, %dma_start3A_468] : memref<256x64xf32, #tpu.memory_space<vmem>> -> memref<1x64xf32, #tpu.memory_space<vmem>>
          %dma_start3A_470 = arith.constant 0 : i32
          %dma_start3A_471 = tpu.memref_slice %arg2[%squeeze3A_459, %dma_start3A_470] : memref<1000000x64xf32, #tpu.memory_space<hbm>> -> memref<1x64xf32, #tpu.memory_space<hbm>>
          tpu.enqueue_dma source(%dma_start3A_471 : memref<1x64xf32, #tpu.memory_space<hbm>>) target(%dma_start3A_469 : memref<1x64xf32, #tpu.memory_space<vmem>>) target_semaphore(%arg9 : memref<!tpu.dma_semaphore, #tpu.memory_space<semaphore_mem>>)
          %slice3A_472 = vector.extract_strided_slice %get3A_305 {offsets = [12], sizes = [1], strides = [1]} : vector<16xi32> to vector<1xi32>
          %squeeze3A_473 = vector.extract %slice3A_472[0] : i32 from vector<1xi32>
          %mul3A_474 = arith.constant 16 : i32
          %mul3A_475 = arith.muli %scan3A_302, %mul3A_474 : i32
          %add3A_476 = arith.constant 12 : i32
          %add3A_477 = arith.addi %mul3A_475, %add3A_476 : i32
          %dma_start3A_478 = arith.constant 0 : i32
          %dma_start3A_479 = tpu.memref_slice %arg7[%add3A_477, %dma_start3A_478] : memref<256x64xf32, #tpu.memory_space<vmem>> -> memref<1x64xf32, #tpu.memory_space<vmem>>
          %dma_start3A_480 = arith.constant 0 : i32
          %dma_start3A_481 = tpu.memref_slice %arg2[%squeeze3A_473, %dma_start3A_480] : memref<1000000x64xf32, #tpu.memory_space<hbm>> -> memref<1x64xf32, #tpu.memory_space<hbm>>
          %dma_start3A_482 = arith.constant 0 : i32
          %dma_start3A_483 = tpu.memref_slice %arg7[%add3A_477, %dma_start3A_482] : memref<256x64xf32, #tpu.memory_space<vmem>> -> memref<1x64xf32, #tpu.memory_space<vmem>>
          %dma_start3A_484 = arith.constant 0 : i32
          %dma_start3A_485 = tpu.memref_slice %arg2[%squeeze3A_473, %dma_start3A_484] : memref<1000000x64xf32, #tpu.memory_space<hbm>> -> memref<1x64xf32, #tpu.memory_space<hbm>>
          tpu.enqueue_dma source(%dma_start3A_485 : memref<1x64xf32, #tpu.memory_space<hbm>>) target(%dma_start3A_483 : memref<1x64xf32, #tpu.memory_space<vmem>>) target_semaphore(%arg9 : memref<!tpu.dma_semaphore, #tpu.memory_space<semaphore_mem>>)
          %slice3A_486 = vector.extract_strided_slice %get3A_305 {offsets = [13], sizes = [1], strides = [1]} : vector<16xi32> to vector<1xi32>
          %squeeze3A_487 = vector.extract %slice3A_486[0] : i32 from vector<1xi32>
          %mul3A_488 = arith.constant 16 : i32
          %mul3A_489 = arith.muli %scan3A_302, %mul3A_488 : i32
          %add3A_490 = arith.constant 13 : i32
          %add3A_491 = arith.addi %mul3A_489, %add3A_490 : i32
          %dma_start3A_492 = arith.constant 0 : i32
          %dma_start3A_493 = tpu.memref_slice %arg7[%add3A_491, %dma_start3A_492] : memref<256x64xf32, #tpu.memory_space<vmem>> -> memref<1x64xf32, #tpu.memory_space<vmem>>
          %dma_start3A_494 = arith.constant 0 : i32
          %dma_start3A_495 = tpu.memref_slice %arg2[%squeeze3A_487, %dma_start3A_494] : memref<1000000x64xf32, #tpu.memory_space<hbm>> -> memref<1x64xf32, #tpu.memory_space<hbm>>
          %dma_start3A_496 = arith.constant 0 : i32
          %dma_start3A_497 = tpu.memref_slice %arg7[%add3A_491, %dma_start3A_496] : memref<256x64xf32, #tpu.memory_space<vmem>> -> memref<1x64xf32, #tpu.memory_space<vmem>>
          %dma_start3A_498 = arith.constant 0 : i32
          %dma_start3A_499 = tpu.memref_slice %arg2[%squeeze3A_487, %dma_start3A_498] : memref<1000000x64xf32, #tpu.memory_space<hbm>> -> memref<1x64xf32, #tpu.memory_space<hbm>>
          tpu.enqueue_dma source(%dma_start3A_499 : memref<1x64xf32, #tpu.memory_space<hbm>>) target(%dma_start3A_497 : memref<1x64xf32, #tpu.memory_space<vmem>>) target_semaphore(%arg9 : memref<!tpu.dma_semaphore, #tpu.memory_space<semaphore_mem>>)
          %slice3A_500 = vector.extract_strided_slice %get3A_305 {offsets = [14], sizes = [1], strides = [1]} : vector<16xi32> to vector<1xi32>
          %squeeze3A_501 = vector.extract %slice3A_500[0] : i32 from vector<1xi32>
          %mul3A_502 = arith.constant 16 : i32
          %mul3A_503 = arith.muli %scan3A_302, %mul3A_502 : i32
          %add3A_504 = arith.constant 14 : i32
          %add3A_505 = arith.addi %mul3A_503, %add3A_504 : i32
          %dma_start3A_506 = arith.constant 0 : i32
          %dma_start3A_507 = tpu.memref_slice %arg7[%add3A_505, %dma_start3A_506] : memref<256x64xf32, #tpu.memory_space<vmem>> -> memref<1x64xf32, #tpu.memory_space<vmem>>
          %dma_start3A_508 = arith.constant 0 : i32
          %dma_start3A_509 = tpu.memref_slice %arg2[%squeeze3A_501, %dma_start3A_508] : memref<1000000x64xf32, #tpu.memory_space<hbm>> -> memref<1x64xf32, #tpu.memory_space<hbm>>
          %dma_start3A_510 = arith.constant 0 : i32
          %dma_start3A_511 = tpu.memref_slice %arg7[%add3A_505, %dma_start3A_510] : memref<256x64xf32, #tpu.memory_space<vmem>> -> memref<1x64xf32, #tpu.memory_space<vmem>>
          %dma_start3A_512 = arith.constant 0 : i32
          %dma_start3A_513 = tpu.memref_slice %arg2[%squeeze3A_501, %dma_start3A_512] : memref<1000000x64xf32, #tpu.memory_space<hbm>> -> memref<1x64xf32, #tpu.memory_space<hbm>>
          tpu.enqueue_dma source(%dma_start3A_513 : memref<1x64xf32, #tpu.memory_space<hbm>>) target(%dma_start3A_511 : memref<1x64xf32, #tpu.memory_space<vmem>>) target_semaphore(%arg9 : memref<!tpu.dma_semaphore, #tpu.memory_space<semaphore_mem>>)
          %slice3A_514 = vector.extract_strided_slice %get3A_305 {offsets = [15], sizes = [1], strides = [1]} : vector<16xi32> to vector<1xi32>
          %squeeze3A_515 = vector.extract %slice3A_514[0] : i32 from vector<1xi32>
          %mul3A_516 = arith.constant 16 : i32
          %mul3A_517 = arith.muli %scan3A_302, %mul3A_516 : i32
          %add3A_518 = arith.constant 15 : i32
          %add3A_519 = arith.addi %mul3A_517, %add3A_518 : i32
          %dma_start3A_520 = arith.constant 0 : i32
          %dma_start3A_521 = tpu.memref_slice %arg7[%add3A_519, %dma_start3A_520] : memref<256x64xf32, #tpu.memory_space<vmem>> -> memref<1x64xf32, #tpu.memory_space<vmem>>
          %dma_start3A_522 = arith.constant 0 : i32
          %dma_start3A_523 = tpu.memref_slice %arg2[%squeeze3A_515, %dma_start3A_522] : memref<1000000x64xf32, #tpu.memory_space<hbm>> -> memref<1x64xf32, #tpu.memory_space<hbm>>
          %dma_start3A_524 = arith.constant 0 : i32
          %dma_start3A_525 = tpu.memref_slice %arg7[%add3A_519, %dma_start3A_524] : memref<256x64xf32, #tpu.memory_space<vmem>> -> memref<1x64xf32, #tpu.memory_space<vmem>>
          %dma_start3A_526 = arith.constant 0 : i32
          %dma_start3A_527 = tpu.memref_slice %arg2[%squeeze3A_515, %dma_start3A_526] : memref<1000000x64xf32, #tpu.memory_space<hbm>> -> memref<1x64xf32, #tpu.memory_space<hbm>>
          tpu.enqueue_dma source(%dma_start3A_527 : memref<1x64xf32, #tpu.memory_space<hbm>>) target(%dma_start3A_525 : memref<1x64xf32, #tpu.memory_space<vmem>>) target_semaphore(%arg9 : memref<!tpu.dma_semaphore, #tpu.memory_space<semaphore_mem>>)
        }
        %scan3A_301 = arith.constant 16 : i32
      } else {
      }
      %add3A_186 = arith.constant 1 : i32
      %add3A_187 = arith.addi %mul3A_70, %add3A_186 : i32
      %add3A_188 = arith.addi %mul3A_2, %add3A_187 : i32
      %jit3A_189 = arith.constant 4 : i32
      %div3A_190 = arith.divsi %add3A_188, %jit3A_189 : i32
      %sign3A_191 = arith.constant 0 : i32
      %sign3A_192 = arith.cmpi sgt, %add3A_188, %sign3A_191 : i32
      %sign3A_193 = arith.extui %sign3A_192 : i1 to i32
      %sign3A_194 = arith.constant 0 : i32
      %sign3A_195 = arith.cmpi slt, %add3A_188, %sign3A_194 : i32
      %sign3A_196 = arith.extui %sign3A_195 : i1 to i32
      %sign3A_197 = arith.subi %sign3A_193, %sign3A_196 : i32
      %sign3A_198 = arith.constant 0 : i32
      %sign3A_199 = arith.cmpi sgt, %jit3A_189, %sign3A_198 : i32
      %sign3A_200 = arith.extui %sign3A_199 : i1 to i32
      %sign3A_201 = arith.constant 0 : i32
      %sign3A_202 = arith.cmpi slt, %jit3A_189, %sign3A_201 : i32
      %sign3A_203 = arith.extui %sign3A_202 : i1 to i32
      %sign3A_204 = arith.subi %sign3A_200, %sign3A_203 : i32
      %ne3A_205 = arith.cmpi ne, %sign3A_197, %sign3A_204 : i32
      %rem3A_206 = arith.remsi %add3A_188, %jit3A_189 : i32
      %ne3A_207 = arith.constant 0 : i32
      %ne3A_208 = arith.cmpi ne, %rem3A_206, %ne3A_207 : i32
      %and3A_209 = arith.andi %ne3A_205, %ne3A_208 : i1
      %sub3A_210 = arith.constant 1 : i32
      %sub3A_211 = arith.subi %div3A_190, %sub3A_210 : i32
      %select_n3A_212 = arith.select %and3A_209, %sub3A_211, %div3A_190 : i32
      %jit3A_213 = arith.constant 4 : i32
      %eq3A_214 = arith.constant 0 : i32
      %eq3A_215 = arith.cmpi eq, %jit3A_213, %eq3A_214 : i32
      %jit3A_216 = arith.constant 1 : i32
      %select_n3A_217 = arith.select %eq3A_215, %jit3A_216, %jit3A_213 : i32
      %rem3A_218 = arith.remsi %add3A_188, %select_n3A_217 : i32
      %ne3A_219 = arith.constant 0 : i32
      %ne3A_220 = arith.cmpi ne, %rem3A_218, %ne3A_219 : i32
      %lt3A_221 = arith.constant 0 : i32
      %lt3A_222 = arith.cmpi slt, %rem3A_218, %lt3A_221 : i32
      %lt3A_223 = arith.constant 0 : i32
      %lt3A_224 = arith.cmpi slt, %select_n3A_217, %lt3A_223 : i32
      %ne3A_225 = arith.xori %lt3A_222, %lt3A_224 : i1
      %and3A_226 = arith.andi %ne3A_225, %ne3A_220 : i1
      %add3A_227 = arith.addi %rem3A_218, %select_n3A_217 : i32
      %select_n3A_228 = arith.select %and3A_226, %add3A_227, %rem3A_218 : i32
      %dma_wait3A_229 = arith.constant 0 : i32
      %dma_wait3A_230 = arith.constant 0 : i32
      %dma_wait3A_231 = tpu.memref_slice %arg2[%dma_wait3A_229, %dma_wait3A_230] : memref<1000000x64xf32, #tpu.memory_space<hbm>> -> memref<256x64xf32, #tpu.memory_space<hbm>>
      %dma_wait3A_232 = arith.constant 0 : i32
      %dma_wait3A_233 = arith.constant 0 : i32
      %dma_wait3A_234 = tpu.memref_slice %arg2[%dma_wait3A_232, %dma_wait3A_233] : memref<1000000x64xf32, #tpu.memory_space<hbm>> -> memref<256x64xf32, #tpu.memory_space<hbm>>
      tpu.wait_dma2 semaphore(%arg10 : memref<!tpu.dma_semaphore, #tpu.memory_space<semaphore_mem>>) src(%dma_wait3A_234 : memref<256x64xf32, #tpu.memory_space<hbm>>) dst(%arg8 : memref<256x64xf32, #tpu.memory_space<vmem>>)
      %mul3A_235 = arith.constant 256 : i32
      %mul3A_236 = arith.muli %select_n3A_228, %mul3A_235 : i32
      %dma_start3A_237 = arith.constant 0 : i32
      %dma_start3A_238 = tpu.memref_slice %arg4[%mul3A_236, %select_n3A_212, %dma_start3A_237] : memref<1024x400x64xf32, #tpu.memory_space<hbm>> -> memref<256x1x64xf32, #tpu.memory_space<hbm>>
      %dma_start3A_239 = tpu.memref_squeeze %dma_start3A_238 : memref<256x1x64xf32, #tpu.memory_space<hbm>> -> memref<256x64xf32, #tpu.memory_space<hbm>>
      %dma_start3A_240 = arith.constant 0 : i32
      %dma_start3A_241 = tpu.memref_slice %arg4[%mul3A_236, %select_n3A_212, %dma_start3A_240] : memref<1024x400x64xf32, #tpu.memory_space<hbm>> -> memref<256x1x64xf32, #tpu.memory_space<hbm>>
      %dma_start3A_242 = tpu.memref_squeeze %dma_start3A_241 : memref<256x1x64xf32, #tpu.memory_space<hbm>> -> memref<256x64xf32, #tpu.memory_space<hbm>>
      tpu.enqueue_dma source(%arg8 : memref<256x64xf32, #tpu.memory_space<vmem>>) target(%dma_start3A_242 : memref<256x64xf32, #tpu.memory_space<hbm>>) target_semaphore(%arg12 : memref<!tpu.dma_semaphore, #tpu.memory_space<semaphore_mem>>)
    }
    %scan3A_50 = arith.constant 25 : i32
    %dma_wait3A = arith.constant 0 : i32
    %dma_wait3A_51 = arith.constant 0 : i32
    %dma_wait3A_52 = arith.constant 0 : i32
    %dma_wait3A_53 = tpu.memref_slice %arg4[%dma_wait3A_51, %dma_wait3A, %dma_wait3A_52] : memref<1024x400x64xf32, #tpu.memory_space<hbm>> -> memref<256x1x64xf32, #tpu.memory_space<hbm>>
    %dma_wait3A_54 = tpu.memref_squeeze %dma_wait3A_53 : memref<256x1x64xf32, #tpu.memory_space<hbm>> -> memref<256x64xf32, #tpu.memory_space<hbm>>
    %dma_wait3A_55 = arith.constant 0 : i32
    %dma_wait3A_56 = arith.constant 0 : i32
    %dma_wait3A_57 = tpu.memref_slice %arg4[%dma_wait3A_55, %dma_wait3A, %dma_wait3A_56] : memref<1024x400x64xf32, #tpu.memory_space<hbm>> -> memref<256x1x64xf32, #tpu.memory_space<hbm>>
    %dma_wait3A_58 = tpu.memref_squeeze %dma_wait3A_57 : memref<256x1x64xf32, #tpu.memory_space<hbm>> -> memref<256x64xf32, #tpu.memory_space<hbm>>
    tpu.wait_dma2 semaphore(%arg11 : memref<!tpu.dma_semaphore, #tpu.memory_space<semaphore_mem>>) src(%arg7 : memref<256x64xf32, #tpu.memory_space<vmem>>) dst(%dma_wait3A_58 : memref<256x64xf32, #tpu.memory_space<hbm>>)
    %dma_wait3A_59 = arith.constant 0 : i32
    %dma_wait3A_60 = arith.constant 0 : i32
    %dma_wait3A_61 = arith.constant 0 : i32
    %dma_wait3A_62 = tpu.memref_slice %arg4[%dma_wait3A_60, %dma_wait3A_59, %dma_wait3A_61] : memref<1024x400x64xf32, #tpu.memory_space<hbm>> -> memref<256x1x64xf32, #tpu.memory_space<hbm>>
    %dma_wait3A_63 = tpu.memref_squeeze %dma_wait3A_62 : memref<256x1x64xf32, #tpu.memory_space<hbm>> -> memref<256x64xf32, #tpu.memory_space<hbm>>
    %dma_wait3A_64 = arith.constant 0 : i32
    %dma_wait3A_65 = arith.constant 0 : i32
    %dma_wait3A_66 = tpu.memref_slice %arg4[%dma_wait3A_64, %dma_wait3A_59, %dma_wait3A_65] : memref<1024x400x64xf32, #tpu.memory_space<hbm>> -> memref<256x1x64xf32, #tpu.memory_space<hbm>>
    %dma_wait3A_67 = tpu.memref_squeeze %dma_wait3A_66 : memref<256x1x64xf32, #tpu.memory_space<hbm>> -> memref<256x64xf32, #tpu.memory_space<hbm>>
    tpu.wait_dma2 semaphore(%arg12 : memref<!tpu.dma_semaphore, #tpu.memory_space<semaphore_mem>>) src(%arg8 : memref<256x64xf32, #tpu.memory_space<vmem>>) dst(%dma_wait3A_67 : memref<256x64xf32, #tpu.memory_space<hbm>>)
    return
  }
}

</mosaic_0001>

<sc_bundles>
// kernel: _sc_embed.3.cloned.1.call-start
scs
__scs_entry_jumppad:
0x0: {  	(pc) =	sbr.rel $0x88, $3  }
0x1: {  	(tag) =	ssettag $0x0;
	lr =	simm.s32 $0x1  }
0x2: {  	[smem:$0x3F9F] =	sst lr;
	_ =	strace $0xD0000000  }
0x3: {  	_ = 	snop  }
0x4: {  	_ = 	snop  }
0x5: {  	_ = 	snop  }
0x6: {  	_ = 	snop  }
0x7: {  	_ = 	snop  }
__scs_overlays_trampoline_lowered:
0x8: {  	[smem:$0x3FAE] =	sst s0  }
0x9: {  	[smem:$0x3FAF] =	sst s1  }
0xa: {  	[smem:$0x3FB0] =	sst s2  }
0xb: {  	[smem:$0x3FB1] =	sst s3  }
0xc: {  	[smem:$0x3FB2] =	sst s4  }
0xd: {  	[smem:$0x3FB3] =	sst s5  }
0xe: {  	[smem:$0x3FB4] =	sst s6  }
0xf: {  	[smem:$0x3FB5] =	sst s7  }
0x10: {  	[smem:$0x3FB6] =	sst s8  }
0x11: {  	[smem:$0x3FB7] =	sst s9;
	s0 =	simm.s32 @!p0 $0x0  }
0x12: {  	s1 =	sld [smem:$0x3F9D];
	s0 =	simm.s32 @p0 $0x1  }
0x13: {  	[smem:$0x3FB8] =	sst s0;
	s0 =	simm.s32 @!p1 $0x0  }
0x14: {  	s2 =	sld [smem:$0x3F9C];
	s0 =	simm.s32 @p1 $0x1  }
0x15: {  	[smem:$0x3FB9] =	sst s0;
	s0 =	simm.s32 @!p2 $0x0  }
0x16: {  	s3 =	sld [smem:$0x3FDB];
	s0 =	simm.s32 @p2 $0x1  }
0x17: {  	s4 =	simm.s32 $0x1BF5;
	[smem:$0x3FBB] =	sst s0  }
0x18: {  	s0 =	sld [smem:$0x3F9E];
	_ =	swait.ge [sflag:s4], $0x0  }
0x19: {  	s7 =	sld [smem:$0x3F9F]  }
0x1a: {  	s8 =	sadd.s32 $0xFFFFE003, lr  }
0x1b: {  	s9 =	sadd.s32 $0xFFFFFEF7, lr;
	s5 =	simm.s32 $0xFFFFFFFF;
	p2 =	slt.u32 s8, $0xFFFFF086  }
0x1c: {  	p1 =	slt.u32 s9, $0xF7A;
	s5 =	simm.s32 @!p2 $0x0  }
0x1d: {  	s5 =	simm.s32 @p1 $0x1;
	p0 =	seq.s32 s7, s2  }
0x1e: {  	s7 =	smul.u32 @!p0 $0xF7A, s2;
	p2 =	seq.s32 @!p0 s5, $0x0  }
0x1f: {  	s9 =	smul.u32 $0xF7A, s1;
	s8 =	simm.s32 @!p0 $0x1BF5;
	p2 =	por !p2, p0  }
0x20: {  	[sflag:s8] =	ssyncset.s32 @!p0 $0xFFFFF086;
	s6 =	sadd.s32 @!p0 s3, s7;
	s7 =	simm.s32 @!p0 $0x108  }
0x21: {  	s3 =	sadd.s32 s3, s9;
	s6 =	sadd.s32 @!p0 $0x88, s6;
	s7 =	simm.s32 @p2 $0x1082  }
0x22: {  	[simem:s7], [sflag:s8] =	dma.local @!p0 [hbm:s6], $0xF7A  }
0x23: {  	s9 =	sor.u32 $0xD0000000, s2;
	s6 =	simm.s32 $0x108;
	_ =	swait.ge @!p0 [sflag:s8], $0x0  }
0x24: {  	s3 =	sadd.s32 $0x88, s3;
	s6 =	simm.s32 @!p1 $0x1082;
	[sflag:s4] =	ssyncset.s32 $0xFFFFF086  }
0x25: {  	[simem:s6], [sflag:s4] =	dma.local [hbm:s3], $0xF7A  }
0x26: {  	[smem:$0x3F9F] =	sst s1;
	(tag) =	ssettag s2;
	_ =	strace s9  }
0x27: {  	s1 =	sld [smem:$0x3FAF]  }
0x28: {  	s2 =	sld [smem:$0x3FB0]  }
0x29: {  	s4 =	sld [smem:$0x3FB2]  }
0x2a: {  	p0 =	seq.s32 s5, $0x0;
	s5 =	sld [smem:$0x3FB3]  }
0x2b: {  	s6 =	sld [smem:$0x3FB4]  }
0x2c: {  	s7 =	sld [smem:$0x3FB5]  }
0x2d: {  	s3 =	simm.s32 $0x108;
	s8 =	sld [smem:$0x3FB6]  }
0x2e: {  	s3 =	simm.s32 @!p0 $0x1082;
	s9 =	sld [smem:$0x3FB7]  }
0x2f: {  	lr =	sadd.s32 s0, s3;
	s0 =	sld [smem:$0x3FAE]  }
0x30: {  	s3 =	sld [smem:$0x3FB1]  }
0x31: {  	[smem:$0x3FBA] =	sst s10  }
0x32: {  	s10 =	sld [smem:$0x3FB8];
	_ =	sdelay $0x3  }
0x33: {  	p0 =	seq.s32 s10, $0x1;
	s10 =	sld [smem:$0x3FBA];
	_ =	sdelay $0x3  }
0x34: {  	[smem:$0x3FBA] =	sst s10  }
0x35: {  	s10 =	sld [smem:$0x3FB9];
	_ =	sdelay $0x3  }
0x36: {  	p1 =	seq.s32 s10, $0x1;
	s10 =	sld [smem:$0x3FBA];
	_ =	sdelay $0x3  }
0x37: {  	[smem:$0x3FBA] =	sst s10  }
0x38: {  	s10 =	sld [smem:$0x3FBB]  }
0x39: {  	_ = 	snop;
	(pc) =	sbr.ind lr, $3  }
0x3a: {  	_ = 	snop  }
0x3b: {  	_ = 	snop  }
0x3c: {  	p2 =	seq.s32 s10, $0x1;
	s10 =	sld [smem:$0x3FBA]  }
0x3d: {  	_ =	shalt  }
0x3e: {  	_ =	shalt  }
0x3f: {  	_ =	shalt  }
0x40: {  	_ =	shalt  }
0x41: {  	_ =	shalt  }
0x42: {  	_ =	shalt  }
0x43: {  	_ =	shalt  }
0x44: {  	_ =	shalt  }
0x45: {  	_ =	shalt  }
0x46: {  	_ =	shalt  }
0x47: {  	_ =	shalt  }
0x48: {  	_ =	shalt  }
0x49: {  	_ =	shalt  }
0x4a: {  	_ =	shalt  }
0x4b: {  	_ =	shalt  }
0x4c: {  	_ =	shalt  }
0x4d: {  	_ =	shalt  }
0x4e: {  	_ =	shalt  }
0x4f: {  	_ =	shalt  }
0x50: {  	_ =	shalt  }
0x51: {  	_ =	shalt  }
0x52: {  	_ =	shalt  }
0x53: {  	_ =	shalt  }
0x54: {  	_ =	shalt  }
0x55: {  	_ =	shalt  }
0x56: {  	_ =	shalt  }
0x57: {  	_ =	shalt  }
0x58: {  	_ =	shalt  }
0x59: {  	_ =	shalt  }
0x5a: {  	_ =	shalt  }
0x5b: {  	_ =	shalt  }
0x5c: {  	_ =	shalt  }
0x5d: {  	_ =	shalt  }
0x5e: {  	_ =	shalt  }
0x5f: {  	_ =	shalt  }
0x60: {  	_ =	shalt  }
0x61: {  	_ =	shalt  }
0x62: {  	_ =	shalt  }
0x63: {  	_ =	shalt  }
0x64: {  	_ =	shalt  }
0x65: {  	_ =	shalt  }
0x66: {  	_ =	shalt  }
0x67: {  	_ =	shalt  }
0x68: {  	_ =	shalt  }
0x69: {  	_ =	shalt  }
0x6a: {  	_ =	shalt  }
0x6b: {  	_ =	shalt  }
0x6c: {  	_ =	shalt  }
0x6d: {  	_ =	shalt  }
0x6e: {  	_ =	shalt  }
0x6f: {  	_ =	shalt  }
0x70: {  	_ =	shalt  }
0x71: {  	_ =	shalt  }
0x72: {  	_ =	shalt  }
0x73: {  	_ =	shalt  }
0x74: {  	_ =	shalt  }
0x75: {  	_ =	shalt  }
0x76: {  	_ =	shalt  }
0x77: {  	_ =	shalt  }
0x78: {  	_ =	shalt  }
0x79: {  	_ =	shalt  }
0x7a: {  	_ =	shalt  }
0x7b: {  	_ =	shalt  }
0x7c: {  	_ =	shalt  }
0x7d: {  	_ =	shalt  }
0x7e: {  	_ =	shalt  }
0x7f: {  	_ =	shalt  }
0x80: {  	_ =	shalt  }
0x81: {  	_ =	shalt  }
0x82: {  	_ =	shalt  }
0x83: {  	_ =	shalt  }
0x84: {  	_ =	shalt  }
0x85: {  	_ =	shalt  }
0x86: {  	_ =	shalt  }
0x87: {  	_ =	shalt  }
.Lfunc_end0:
.L_simem_size_0:
called_computation_lowered:
.L_overlay_start_0:
0x88: {  	s2 =	sld [smem:$0x3FD9]  }
0x89: {  	s3 =	sld [smem:$0x3FFE];
	_ =	sdelay $0x1  }
0x8a: {  	s1 =	srdreg.scid  }
0x8b: {  	s0 =	sand.u32 $0x1, s1  }
0x8c: {  	s17 =	sshll.u32 s0, $0xA;
	s2 =	sadd.s32 s3, s2  }
0x8d: {  	s2 =	sadd.s32 s2, s17  }
0x8e: {  	[smem:$0x3FC6] =	sst s2  }
0x8f: {  	_ = 	snop  }
0x90: {  	s2 =	sld [smem:$0x3FC8];
	(tm) =	ssettm $0x1  }
0x91: {  	s18 =	sld [smem:$0x3FFB];
	_ =	sdelay $0x3  }
0x92: {  	_ =	strace s18  }
0x93: {  	s3 =	sld [smem:$0x3FFC];
	_ =	sdelay $0x3  }
0x94: {  	_ =	strace s3  }
0x95: {  	s3 =	sld [smem:$0x3FFD];
	_ =	sdelay $0x3  }
0x96: {  	_ =	strace s3  }
0x97: {  	_ =	strace $0x8FFFFFFF  }
0x98: {  	s19 =	sld [smem:$0x3FDB];
	_ =	sdelay $0x1  }
0x99: {  	s4 =	simm.s32 $_scs_section_size  }
0x9a: {  	s5 =	simm.s32 $_size__tile_overlayer_lowered;
	s6 =	simm.s32 $_tile_overlayer_lowered  }
0x9b: {  	s22 =	simm.s32 $0x1BFF;
	s21 =	sshll.u32 s6, $0x1;
	s3 =	sadd.s32 s4, s19  }
0x9c: {  	s7 =	simm.s32 $0x0;
	s20 =	sshll.u32 s5, $0x1;
	s5 =	sadd.s32 s21, s3  }
0x9d: {  	[timem:s7], [sflag:s22] =	dma.local [hbm:s5], s20  }
0x9e: {  	_ =	swait.ge [sflag:s22], s20  }
0x9f: {  	s4 =	ssub.s32 $0x0, s20;
	[sflag:s22] =	ssyncset.done $0x0  }
0xa0: {  	[sflag:s22] =	ssyncadd.s32 s4;
	_ =	sdelay $0x1  }
0xa1: {  	s23 =	simm.s32 $0x1B8B  }
0xa2: {  	_ =	swait.ge [sflag:s23], $0x1  }
0xa3: {  	[sflag:s23] =	ssyncset.done $0x0  }
0xa4: {  	s25 =	simm.s32 $0x1B8E;
	s24 =	sld [smem:$0x3FFE];
	[sflag:s23] =	ssyncadd.s32 $0xFFFFFFFF  }
0xa5: {  	s26 =	simm.s32 $execute0_lowered;
	[smem:$0x3FD2] =	sst s25  }
0xa6: {  	s5 =	sshll.u32 s26, $0x1;
	_ =	strace $0x80000046;
	[dreg:$0x1] =	wrdreg $0xFFFFFFFF  }
0xa7: {  	s28 =	simm.s32 $_size_execute0_lowered;
	s3 =	sadd.s32 s3, s5;
	[dreg:$0x0] =	wrdreg $0x0  }
0xa8: {  	s5 =	sshll.u32 s28, $0x1;
	[dreg:$0x2] =	wrdreg s3  }
0xa9: {  	[dreg:$0x3] =	wrdreg s5  }
0xaa: {  	[dreg:$0x4] =	wrdreg $0xC0  }
0xab: {  	_ =	task [dreg:s7], $0x5FFFF  }
0xac: {  	[dreg:$0x1] =	wrdreg $0xFFFFFFFF  }
0xad: {  	[dreg:$0x0] =	wrdreg $0x60  }
0xae: {  	[dreg:$0x2] =	wrdreg s24  }
0xaf: {  	[dreg:$0x3] =	wrdreg s2  }
0xb0: {  	[dreg:$0x4] =	wrdreg $0x9  }
0xb1: {  	_ =	task.clear_ibuf [dreg:s7], $0x5FFFF;
	_ =	strace $0x90000046  }
0xb2: {  	s29 =	simm.s32 $0x9;
	_ =	strace $0x80000048  }
0xb3: {  	_ =	swait.ge [sflag:s29], $0x1  }
0xb4: {  	[sflag:s29] =	ssyncadd.s32 $0xFFFFFFFF  }
0xb5: {  	_ =	strace $0x90000048  }
0xb6: {  	_ =	sfence  }
0xb7: {  	s30 =	sld [smem:$0x0];
	_ =	sdelay $0x2  }
0xb8: {  	s31 =	sshll.u32 s1, $0xD;
	s1 =	sshrl.u32 s1, $0x2  }
0xb9: {  	s3 =	sand.u32 $0x4000, s31;
	s1 =	sadd.s32 s1, s30  }
0xba: {  	s0 =	sor.u32 s3, s0;
	s1 =	sshll.u32 s1, $0x11  }
0xbb: {  	s0 =	sor.u32 s1, s0  }
0xbc: {  	s0 =	sadd.s32 $0x8F2B, s0  }
0xbd: {  	[sflag:s0] =	ssyncadd.remote.s32 $0x1  }
0xbe: {  	_ =	sfence.sel $0xFFFF  }
0xbf: {  	[dreg:$0x0] =	wrdreg $0xFFFFFFFF;
	(pc) =	sbr.abs _section_cstart, $3  }
0xc0: {  	[dreg:$0x1] =	wrdreg $0xFFFFFFFF  }
0xc1: {  	_ =	task.clear_ibuf [dreg:s7], $0x2FFFF;
	_ =	strace $0x9FFFFFFF  }
0xc2: {  	(tm) =	ssettm $0x7FFFFFFF  }
0xc3: {  	_ =	shalt  }
tec
execute0_lowered:
.L_overlay_start_1:
0x0: {  	(tag) =	ssettag $0x1  }
0x1: {  	s0 =	rddreg [dreg:$0x0]  }
0x2: {  	s1 =	srdreg.scid;
	s2 =	stileid.u32  }
0x3: {  	s9 =	rddreg [dreg:$0x1];
	s3 =	simm.s32 $0x0;
	s10 =	simm.s32 $0x5  }
0x4: {  	s5 =	sand.u32 $0x1, s1;
	s4 =	sshll.u32 s2, $0x1;
	[smem:$0x7FF] =	sst s3  }
0x5: {  	s1 =	sshll.u32 s1, $0x9;
	s6 =	sor.u32 s5, s4;
	_ =	strace $0x80000047  }
0x6: {  	s4 =	sadd.s32 $0x400, s0;
	s1 =	sand.u32 $0x200, s1;
	s7 =	smul.u32 $0x3200, s6  }
0x7: {  	s8 =	ssub.s32 $0x2, s5;
	s5 =	smul.u32 $0x32, s6;
	s6 =	sadd.s32 $0xF42800, s0  }
.Ltmp0:
0x8: {  	s30 =	sshrl.u32 s8, $0x1;
	s7 =	sand.u32 $0x7FC00, s7;
	(pc) =	sbr.rel .LBB2_1-.Ltmp0, $4  }
0x9: {  	s0 =	ssub.s32 s8, s30;
	s31 =	sadd.s32 $0x2, s5;
	s1 =	sor.u32 s1, s7  }
0xa: {  	s0 =	smax.u32 s0, $0x1;
	[dreg:$0x4] =	wrdreg s31;
	s1 =	sshrl.u32 s1, $0x3  }
0xb: {  	s12 =	simm.s32 $0x1;
	[dreg:$0x5] =	wrdreg s0;
	s1 =	sadd.s32 s9, s1  }
0xc: {  	s16 =	simm.s32 $0x2;
	s2 =	simm.s32 $0x0;
	[dreg:$0x3] =	wrdreg s1  }
.LBB2_11:
0xd: {  	s0 =	simm.s32 $0x3  }
0xe: {  	_ =	swait.ge [sflag:s0], $0x8000  }
0xf: {  	[sflag:s0] =	ssyncset.done $0x0  }
0x10: {  	s1 =	simm.s32 $0x4;
	[sflag:s0] =	ssyncadd.s32 $0xFFFF8000  }
0x11: {  	_ =	swait.ge [sflag:s1], $0x8000  }
0x12: {  	s2 =	rddreg [dreg:$0x6]  }
0x13: {  	s31 =	rddreg [dreg:$0x5];
	s2 =	sadd.s32 $0x1, s2  }
0x14: {  	p0 =	sne.s32 s2, s31  }
.Ltmp1:
0x15: {  	_ = 	snop;
	(pc) =	sbr.rel @!p0 .LBB2_12-.Ltmp1, $3  }
0x16: {  	_ =	sdelay $0x1  }
0x17: {  	[sflag:s1] =	ssyncset.done $0x0  }
0x18: {  	[sflag:s1] =	ssyncadd.s32 $0xFFFF8000  }
.LBB2_1:
0x19: {  	[dreg:$0x6] =	wrdreg s2  }
0x1a: {  	s0 =	rddreg [dreg:$0x3]  }
0x1b: {  	[tilespmem:s3], [sflag:$0x5] =	stream.linear.gather [hbm4b:s0+s3], $0x100, $0x38;
	[tilespmem:$0x10200] =	vst v63  }
0x1c: {  	_ =	swait.ge [sflag:s10], $0x100  }
0x1d: {  	[sflag:s10] =	ssyncset.done $0x0  }
0x1e: {  	[sflag:s10] =	ssyncadd.s32 $0xFFFFFF00  }
0x1f: {  	v0 =	vld [tilespmem:s3+$0x0];
	_ =	sdelay $0x4  }
0x20: {  	v0 =	vshll.u32 v0, $0x4  }
0x21: {  	(v2sf) =	vpush v0, $0x0  }
0x22: {  	(v2sf) =	vpush v0, $0x1  }
0x23: {  	(v2sf) =	vpush v0, $0x2;
	_ =	sdelay $0x1  }
0x24: {  	(v2sf) =	vpush v0, $0x4;
	_ =	sdelay $0x1  }
0x25: {  	(v2sf) =	vpush v0, $0x3  }
0x26: {  	(v2sf) =	vpush v0, $0x5  }
0x27: {  	s23 =	simm.s32 $0x2000;
	s22 =	simm.s32 $0x0;
	s24 =	simm.s32 $0x0;
	(v2sf) =	vpush v0, $0x6  }
.LBB2_2:
0x28: {  	p0 =	sne.s32 s23, $0x1E000  }
0x29: {  	s19 =	sadd.s32 $0x280, s22;
	s29 =	sadd.s32 $0x780, s22;
	s25 =	smov.u32 s23  }
0x2a: {  	s23 =	sadd.s32 $0x2000, s23;
	s0 =	sadd.s32 $0x580, s22;
	s26 =	sadd.s32 $0x800, s22;
	(v2sf) =	vpush v0, $0x7  }
0x2b: {  	s9 =	sadd.s32 $0x480, s22;
	s1 =	sadd.s32 $0x600, s22;
	s28 =	sadd.s32 $0x880, s22  }
0x2c: {  	s20 =	sadd.s32 $0x200, s22;
	s31 =	sadd.s32 $0x400, s22;
	(v2sf) =	vpush v0, $0x8  }
0x2d: {  	s21 =	simm.s32 $0x0;
	s8 =	sadd.s32 $0x500, s22;
	s24 =	sadd.s32 $0x10, s24  }
0x2e: {  	s11 =	sadd.s32 $0x300, s22;
	s30 =	sadd.s32 $0x700, s22;
	s7 =	spop (v2sf);
	(v2sf) =	vpush v0, $0x9  }
0x2f: {  	s15 =	sand.u32 $0x1FFFFFF0, s7;
	s7 =	sadd.s32 $0x680, s22;
	s17 =	spop (v2sf)  }
0x30: {  	s15 =	sadd.s32 s4, s15;
	s17 =	sand.u32 $0x1FFFFFF0, s17;
	s2 =	spop (v2sf);
	(v2sf) =	vpush v0, $0xA  }
0x31: {  	[tilespmem:s20], [sflag:$0x1] =	stream.linear.gather [hbm4b:s15+s21], $0x80, $0x38;
	[tilespmem:$0x10200] =	vst v63  }
0x32: {  	s15 =	sadd.s32 s4, s17;
	s17 =	sadd.s32 $0x380, s22;
	s20 =	spop (v2sf);
	(v2sf) =	vpush v0, $0xB  }
0x33: {  	[tilespmem:s19], [sflag:$0x1] =	stream.linear.gather [hbm4b:s15+s21], $0x80, $0x38;
	[tilespmem:$0x10200] =	vst v63  }
0x34: {  	s2 =	sand.u32 $0x1FFFFFF0, s2;
	s15 =	sand.u32 $0x1FFFFFF0, s20;
	s19 =	spop (v2sf);
	(v2sf) =	vpush v0, $0xC  }
0x35: {  	s2 =	sadd.s32 s4, s2;
	s19 =	sand.u32 $0x1FFFFFF0, s19;
	s20 =	spop (v2sf)  }
0x36: {  	[tilespmem:s11], [sflag:$0x1] =	stream.linear.gather [hbm4b:s2+s21], $0x80, $0x38;
	(v2sf) =	vpush v0, $0xD;
	[tilespmem:$0x10200] =	vst v63  }
0x37: {  	s2 =	sadd.s32 s4, s19;
	s11 =	sand.u32 $0x1FFFFFF0, s20;
	s19 =	spop (v2sf)  }
0x38: {  	[tilespmem:s17], [sflag:$0x1] =	stream.linear.gather [hbm4b:s2+s21], $0x80, $0x38;
	(v2sf) =	vpush v0, $0xE;
	[tilespmem:$0x10200] =	vst v63  }
0x39: {  	s2 =	sadd.s32 s4, s15;
	s15 =	sand.u32 $0x1FFFFFF0, s19;
	s17 =	spop (v2sf)  }
0x3a: {  	[tilespmem:s31], [sflag:$0x1] =	stream.linear.gather [hbm4b:s2+s21], $0x80, $0x38;
	(v2sf) =	vpush v0, $0xF;
	[tilespmem:$0x10200] =	vst v63  }
0x3b: {  	s2 =	sadd.s32 s4, s11;
	s11 =	sand.u32 $0x1FFFFFF0, s17;
	s17 =	spop (v2sf)  }
0x3c: {  	[tilespmem:s9], [sflag:$0x1] =	stream.linear.gather [hbm4b:s2+s21], $0x80, $0x38;
	[tilespmem:$0x10200] =	vst v63  }
0x3d: {  	s2 =	sadd.s32 s4, s15;
	s9 =	sand.u32 $0x1FFFFFF0, s17;
	s15 =	spop (v2sf)  }
0x3e: {  	[tilespmem:s8], [sflag:$0x1] =	stream.linear.gather [hbm4b:s2+s21], $0x80, $0x38;
	[tilespmem:$0x10200] =	vst v63  }
0x3f: {  	s2 =	sadd.s32 s4, s11;
	s8 =	sand.u32 $0x1FFFFFF0, s15;
	s11 =	spop (v2sf)  }
0x40: {  	[tilespmem:s0], [sflag:$0x1] =	stream.linear.gather [hbm4b:s2+s21], $0x80, $0x38;
	[tilespmem:$0x10200] =	vst v63  }
0x41: {  	s0 =	sadd.s32 s4, s9;
	s2 =	sand.u32 $0x1FFFFFF0, s11;
	s9 =	spop (v2sf)  }
0x42: {  	[tilespmem:s1], [sflag:$0x1] =	stream.linear.gather [hbm4b:s0+s21], $0x80, $0x38;
	[tilespmem:$0x10200] =	vst v63  }
0x43: {  	s0 =	sadd.s32 s4, s8;
	s1 =	sand.u32 $0x1FFFFFF0, s9;
	s8 =	spop (v2sf)  }
0x44: {  	[tilespmem:s7], [sflag:$0x1] =	stream.linear.gather [hbm4b:s0+s21], $0x80, $0x38;
	[tilespmem:$0x10200] =	vst v63  }
0x45: {  	s0 =	sadd.s32 s4, s2;
	s2 =	sand.u32 $0x1FFFFFF0, s8;
	s7 =	spop (v2sf)  }
0x46: {  	[tilespmem:s30], [sflag:$0x1] =	stream.linear.gather [hbm4b:s0+s21], $0x80, $0x38;
	[tilespmem:$0x10200] =	vst v63  }
0x47: {  	s0 =	sadd.s32 s4, s1;
	s1 =	sand.u32 $0x1FFFFFF0, s7;
	s7 =	spop (v2sf)  }
0x48: {  	[tilespmem:s29], [sflag:$0x1] =	stream.linear.gather [hbm4b:s0+s21], $0x80, $0x38;
	[tilespmem:$0x10200] =	vst v63  }
0x49: {  	s0 =	sadd.s32 s4, s2;
	s2 =	sand.u32 $0x1FFFFFF0, s7;
	s7 =	spop (v2sf)  }
0x4a: {  	[tilespmem:s26], [sflag:$0x1] =	stream.linear.gather [hbm4b:s0+s21], $0x80, $0x38;
	[tilespmem:$0x10200] =	vst v63  }
0x4b: {  	s0 =	sadd.s32 s4, s1;
	s1 =	sand.u32 $0x1FFFFFF0, s7  }
0x4c: {  	[tilespmem:s28], [sflag:$0x1] =	stream.linear.gather [hbm4b:s0+s21], $0x80, $0x38;
	[tilespmem:$0x10200] =	vst v63  }
0x4d: {  	s2 =	sadd.s32 s4, s2;
	s0 =	sadd.s32 $0x900, s22  }
0x4e: {  	[tilespmem:s0], [sflag:$0x1] =	stream.linear.gather [hbm4b:s2+s21], $0x80, $0x38;
	[tilespmem:$0x10200] =	vst v63  }
0x4f: {  	s1 =	sadd.s32 s4, s1;
	s0 =	sadd.s32 $0x980, s22  }
0x50: {  	[tilespmem:s0], [sflag:$0x1] =	stream.linear.gather [hbm4b:s1+s21], $0x80, $0x38;
	[tilespmem:$0x10200] =	vst v63  }
0x51: {  	v0 =	vld [tilespmem:s24+$0x0];
	_ =	sdelay $0x4  }
0x52: {  	v0 =	vshll.u32 v0, $0x4  }
0x53: {  	(v2sf) =	vpush v0, $0x0  }
0x54: {  	(v2sf) =	vpush v0, $0x1  }
0x55: {  	(v2sf) =	vpush v0, $0x2;
	_ =	sdelay $0x1  }
0x56: {  	(v2sf) =	vpush v0, $0x4  }
.Ltmp2:
0x57: {  	(pc) =	sbr.rel @p0 .LBB2_2-.Ltmp2, $3  }
0x58: {  	(v2sf) =	vpush v0, $0x3  }
0x59: {  	(v2sf) =	vpush v0, $0x5;
	_ =	sdelay $0x1  }
0x5a: {  	s22 =	sshra.s32 s25, $0x2;
	(v2sf) =	vpush v0, $0x6  }
0x5b: {  	_ =	sdelay $0x2  }
0x5c: {  	s2 =	sadd.s32 $0x280, s22;
	s7 =	sadd.s32 $0x780, s22;
	s8 =	sadd.s32 $0x580, s22;
	(v2sf) =	vpush v0, $0x7  }
0x5d: {  	s9 =	sadd.s32 $0x480, s22;
	s11 =	sadd.s32 $0x600, s22;
	s15 =	sadd.s32 $0x200, s22  }
0x5e: {  	s17 =	sadd.s32 $0x400, s22;
	s19 =	sadd.s32 $0x500, s22;
	(v2sf) =	vpush v0, $0x8;
	s20 =	spop (v2sf)  }
0x5f: {  	s23 =	sadd.s32 $0x300, s22;
	s20 =	sand.u32 $0x1FFFFFF0, s20;
	s24 =	spop (v2sf)  }
0x60: {  	(v2sf) =	vpush v0, $0x9;
	s20 =	sadd.s32 s4, s20;
	s24 =	sand.u32 $0x1FFFFFF0, s24;
	s25 =	spop (v2sf)  }
0x61: {  	[tilespmem:s15], [sflag:$0x1] =	stream.linear.gather [hbm4b:s20+s21], $0x80, $0x38;
	[tilespmem:$0x10200] =	vst v63  }
0x62: {  	(v2sf) =	vpush v0, $0xA;
	s26 =	sadd.s32 s4, s24;
	s29 =	sand.u32 $0x1FFFFFF0, s25;
	s28 =	spop (v2sf)  }
0x63: {  	[tilespmem:s2], [sflag:$0x1] =	stream.linear.gather [hbm4b:s26+s21], $0x80, $0x38;
	[tilespmem:$0x10200] =	vst v63  }
0x64: {  	s15 =	sadd.s32 $0x700, s22;
	(v2sf) =	vpush v0, $0xB;
	s20 =	sadd.s32 s4, s29;
	s30 =	spop (v2sf)  }
0x65: {  	s2 =	sadd.s32 $0x680, s22;
	s26 =	sadd.s32 $0x380, s22;
	s25 =	sand.u32 $0x1FFFFFF0, s30  }
0x66: {  	(v2sf) =	vpush v0, $0xC;
	[tilespmem:s23], [sflag:$0x1] =	stream.linear.gather [hbm4b:s20+s21], $0x80, $0x38;
	[tilespmem:$0x10200] =	vst v63  }
0x67: {  	s31 =	sand.u32 $0x1FFFFFF0, s28;
	s13 =	spop (v2sf);
	s14 =	sadd.s32 s4, s25  }
0x68: {  	(v2sf) =	vpush v0, $0xD;
	[tilespmem:s26], [sflag:$0x1] =	stream.linear.gather [hbm4b:s14+s21], $0x80, $0x38;
	[tilespmem:$0x10200] =	vst v63  }
0x69: {  	s20 =	sadd.s32 s4, s31;
	s23 =	sand.u32 $0x1FFFFFF0, s13;
	s18 =	spop (v2sf)  }
0x6a: {  	[tilespmem:s17], [sflag:$0x1] =	stream.linear.gather [hbm4b:s20+s21], $0x80, $0x38;
	[tilespmem:$0x10200] =	vst v63  }
0x6b: {  	s23 =	sadd.s32 s4, s23;
	s25 =	sand.u32 $0x1FFFFFF0, s18;
	s26 =	spop (v2sf)  }
0x6c: {  	(v2sf) =	vpush v0, $0xE;
	[tilespmem:s9], [sflag:$0x1] =	stream.linear.gather [hbm4b:s23+s21], $0x80, $0x38;
	[tilespmem:$0x10200] =	vst v63  }
0x6d: {  	s28 =	sand.u32 $0x1FFFFFF0, s26;
	s29 =	spop (v2sf);
	s17 =	sadd.s32 s4, s25  }
0x6e: {  	(v2sf) =	vpush v0, $0xF;
	[tilespmem:s19], [sflag:$0x1] =	stream.linear.gather [hbm4b:s17+s21], $0x80, $0x38;
	[tilespmem:$0x10200] =	vst v63  }
0x6f: {  	s30 =	sand.u32 $0x1FFFFFF0, s29;
	s9 =	sadd.s32 s4, s28;
	s31 =	spop (v2sf)  }
0x70: {  	[tilespmem:s8], [sflag:$0x1] =	stream.linear.gather [hbm4b:s9+s21], $0x80, $0x38;
	[tilespmem:$0x10200] =	vst v63  }
0x71: {  	s17 =	sadd.s32 s4, s30;
	s13 =	sand.u32 $0x1FFFFFF0, s31;
	s14 =	spop (v2sf)  }
0x72: {  	[tilespmem:s11], [sflag:$0x1] =	stream.linear.gather [hbm4b:s17+s21], $0x80, $0x38;
	[tilespmem:$0x10200] =	vst v63  }
0x73: {  	s9 =	sand.u32 $0x1FFFFFF0, s14;
	s8 =	sadd.s32 s4, s13;
	s18 =	spop (v2sf)  }
0x74: {  	[tilespmem:s2], [sflag:$0x1] =	stream.linear.gather [hbm4b:s8+s21], $0x80, $0x38;
	[tilespmem:$0x10200] =	vst v63  }
0x75: {  	s9 =	sadd.s32 s4, s9;
	s19 =	sand.u32 $0x1FFFFFF0, s18;
	s20 =	spop (v2sf)  }
0x76: {  	[tilespmem:s15], [sflag:$0x1] =	stream.linear.gather [hbm4b:s9+s21], $0x80, $0x38;
	[tilespmem:$0x10200] =	vst v63  }
0x77: {  	s2 =	sadd.s32 s4, s19;
	s8 =	sand.u32 $0x1FFFFFF0, s20;
	s23 =	spop (v2sf)  }
0x78: {  	[tilespmem:s7], [sflag:$0x1] =	stream.linear.gather [hbm4b:s2+s21], $0x80, $0x38;
	[tilespmem:$0x10200] =	vst v63  }
0x79: {  	s0 =	sadd.s32 $0x800, s22;
	s24 =	sand.u32 $0x1FFFFFF0, s23;
	s8 =	sadd.s32 s4, s8  }
0x7a: {  	[tilespmem:s0], [sflag:$0x1] =	stream.linear.gather [hbm4b:s8+s21], $0x80, $0x38;
	[tilespmem:$0x10200] =	vst v63  }
0x7b: {  	s1 =	sadd.s32 $0x880, s22;
	s25 =	spop (v2sf);
	s2 =	sadd.s32 s4, s24  }
0x7c: {  	[tilespmem:s1], [sflag:$0x1] =	stream.linear.gather [hbm4b:s2+s21], $0x80, $0x38;
	[tilespmem:$0x10200] =	vst v63  }
.Ltmp3:
0x7d: {  	s26 =	sand.u32 $0x1FFFFFF0, s25;
	s28 =	spop (v2sf);
	(pc) =	sbr.rel .LBB2_4-.Ltmp3, $4  }
0x7e: {  	s30 =	sadd.s32 $0x900, s22;
	s29 =	sand.u32 $0x1FFFFFF0, s28;
	s0 =	sadd.s32 s4, s26  }
0x7f: {  	[tilespmem:s30], [sflag:$0x1] =	stream.linear.gather [hbm4b:s0+s21], $0x80, $0x38;
	[tilespmem:$0x10200] =	vst v63  }
0x80: {  	s31 =	sadd.s32 $0x980, s22;
	s1 =	sadd.s32 s4, s29  }
0x81: {  	[tilespmem:s31], [sflag:$0x1] =	stream.linear.gather [hbm4b:s1+s21], $0x80, $0x38;
	[tilespmem:$0x10200] =	vst v63  }
.LBB2_10:
0x82: {  	s0 =	smul.u32 $0xC80000, s23;
	s21 =	sadd.s32 $0x1, s21  }
0x83: {  	s1 =	sand.u32 $0x7FFFFC00, s22;
	p0 =	sne.s32 s21, $0x19  }
.Ltmp4:
0x84: {  	s30 =	sand.u32 $0x380, s22;
	s0 =	sadd.s32 s1, s0;
	(pc) =	sbr.rel @!p0 .LBB2_11-.Ltmp4, $4  }
0x85: {  	_ =	swait.ge [sflag:s16], $0x8000;
	s31 =	simm.s32 $0x80;
	s0 =	sor.u32 s30, s0  }
0x86: {  	s2 =	simm.s32 $0xC800;
	[sflag:s16] =	ssyncset.done $0x0;
	s0 =	sshrl.u32 s0, $0x3  }
0x87: {  	s7 =	simm.s32 $0x8200;
	[sflag:s16] =	ssyncadd.s32 $0xFFFF8000;
	s0 =	sadd.s32 s6, s0  }
0x88: {  	[hbm4b:s0+s31] =	stream.strided.scatter [tilespmem:s7], [sflag:$0x4], $0x8000, s2, s31, $0x38;
	[tilespmem:$0x10200] =	vst v63  }
.LBB2_4:
0x89: {  	s24 =	sshll.u32 s21, $0x1  }
0x8a: {  	s0 =	sadd.s32 s24, s5  }
0x8b: {  	s0 =	sadd.s32 $0x1, s0  }
0x8c: {  	s23 =	sand.u32 $0x3, s0  }
0x8d: {  	s2 =	rddreg [dreg:$0x1];
	s22 =	sshll.u32 s0, $0x5;
	s30 =	sshll.u32 s23, $0x5  }
0x8e: {  	s1 =	sand.u32 $0x7FFFFF80, s22;
	s0 =	sadd.s32 s2, s30  }
0x8f: {  	s31 =	simm.s32 $0x100;
	s0 =	sadd.s32 s1, s0  }
0x90: {  	[tilespmem:s31], [sflag:$0x5] =	stream.linear.gather [hbm4b:s0+s3], $0x100, $0x38;
	[tilespmem:$0x10200] =	vst v63  }
0x91: {  	_ =	swait.ge [sflag:s10], $0x100  }
0x92: {  	p0 =	seq.s32 s21, $0x0;
	[sflag:s10] =	ssyncset.done $0x0  }
0x93: {  	s0 =	simm.s32 @!p0 $0x4;
	[sflag:s10] =	ssyncadd.s32 $0xFFFFFF00  }
0x94: {  	_ =	swait.ge @!p0 [sflag:s0], $0x8000  }
0x95: {  	[sflag:s0] =	ssyncset.done @!p0 $0x0  }
0x96: {  	s26 =	simm.s32 $0x100;
	[sflag:s0] =	ssyncadd.s32 @!p0 $0xFFFF8000  }
0x97: {  	v0 =	vld [tilespmem:s26+$0x0];
	_ =	sdelay $0x4  }
0x98: {  	v0 =	vshll.u32 v0, $0x4  }
0x99: {  	(v2sf) =	vpush v0, $0x0  }
0x9a: {  	(v2sf) =	vpush v0, $0x1  }
0x9b: {  	(v2sf) =	vpush v0, $0x2;
	_ =	sdelay $0x1  }
0x9c: {  	(v2sf) =	vpush v0, $0x4;
	_ =	sdelay $0x1  }
0x9d: {  	(v2sf) =	vpush v0, $0x3  }
0x9e: {  	(v2sf) =	vpush v0, $0x5  }
0x9f: {  	s28 =	simm.s32 $0x2000;
	s25 =	simm.s32 $0x0;
	(v2sf) =	vpush v0, $0x6  }
.LBB2_5:
0xa0: {  	p0 =	sne.s32 s28, $0x1E000  }
0xa1: {  	s2 =	sadd.s32 $0x8280, s25;
	s1 =	sadd.s32 $0x8780, s25;
	s29 =	smov.u32 s28  }
0xa2: {  	s28 =	sadd.s32 $0x2000, s28;
	s9 =	sadd.s32 $0x8580, s25;
	s30 =	sadd.s32 $0x8800, s25;
	(v2sf) =	vpush v0, $0x7  }
0xa3: {  	s20 =	sadd.s32 $0x8480, s25;
	s7 =	sadd.s32 $0x8600, s25;
	s31 =	sadd.s32 $0x8880, s25  }
0xa4: {  	s8 =	sadd.s32 $0x8200, s25;
	s11 =	sadd.s32 $0x8400, s25;
	(v2sf) =	vpush v0, $0x8  }
0xa5: {  	s15 =	sadd.s32 $0x8500, s25;
	s26 =	sadd.s32 $0x10, s26  }
0xa6: {  	s17 =	sadd.s32 $0x8300, s25;
	s0 =	sadd.s32 $0x8700, s25;
	s19 =	spop (v2sf);
	(v2sf) =	vpush v0, $0x9  }
0xa7: {  	s18 =	sand.u32 $0x1FFFFFF0, s19;
	s19 =	sadd.s32 $0x8680, s25;
	s13 =	spop (v2sf)  }
0xa8: {  	s18 =	sadd.s32 s4, s18;
	s13 =	sand.u32 $0x1FFFFFF0, s13;
	s14 =	spop (v2sf);
	(v2sf) =	vpush v0, $0xA  }
0xa9: {  	[tilespmem:s8], [sflag:$0x2] =	stream.linear.gather [hbm4b:s18+s3], $0x80, $0x38;
	[tilespmem:$0x10200] =	vst v63  }
0xaa: {  	s8 =	sadd.s32 s4, s13;
	s13 =	sadd.s32 $0x8380, s25;
	s18 =	spop (v2sf);
	(v2sf) =	vpush v0, $0xB  }
0xab: {  	[tilespmem:s2], [sflag:$0x2] =	stream.linear.gather [hbm4b:s8+s3], $0x80, $0x38;
	[tilespmem:$0x10200] =	vst v63  }
0xac: {  	s2 =	sand.u32 $0x1FFFFFF0, s14;
	s8 =	sand.u32 $0x1FFFFFF0, s18;
	s14 =	spop (v2sf);
	(v2sf) =	vpush v0, $0xC  }
0xad: {  	s2 =	sadd.s32 s4, s2;
	s14 =	sand.u32 $0x1FFFFFF0, s14;
	s18 =	spop (v2sf)  }
0xae: {  	[tilespmem:s17], [sflag:$0x2] =	stream.linear.gather [hbm4b:s2+s3], $0x80, $0x38;
	(v2sf) =	vpush v0, $0xD;
	[tilespmem:$0x10200] =	vst v63  }
0xaf: {  	s2 =	sadd.s32 s4, s14;
	s14 =	sand.u32 $0x1FFFFFF0, s18;
	s17 =	spop (v2sf)  }
0xb0: {  	[tilespmem:s13], [sflag:$0x2] =	stream.linear.gather [hbm4b:s2+s3], $0x80, $0x38;
	(v2sf) =	vpush v0, $0xE;
	[tilespmem:$0x10200] =	vst v63  }
0xb1: {  	s2 =	sadd.s32 s4, s8;
	s8 =	sand.u32 $0x1FFFFFF0, s17;
	s13 =	spop (v2sf)  }
0xb2: {  	[tilespmem:s11], [sflag:$0x2] =	stream.linear.gather [hbm4b:s2+s3], $0x80, $0x38;
	(v2sf) =	vpush v0, $0xF;
	[tilespmem:$0x10200] =	vst v63  }
0xb3: {  	s2 =	sadd.s32 s4, s14;
	s11 =	sand.u32 $0x1FFFFFF0, s13;
	s13 =	spop (v2sf)  }
0xb4: {  	[tilespmem:s20], [sflag:$0x2] =	stream.linear.gather [hbm4b:s2+s3], $0x80, $0x38;
	[tilespmem:$0x10200] =	vst v63  }
0xb5: {  	s2 =	sadd.s32 s4, s8;
	s8 =	sand.u32 $0x1FFFFFF0, s13;
	s13 =	spop (v2sf)  }
0xb6: {  	[tilespmem:s15], [sflag:$0x2] =	stream.linear.gather [hbm4b:s2+s3], $0x80, $0x38;
	[tilespmem:$0x10200] =	vst v63  }
0xb7: {  	s2 =	sadd.s32 s4, s11;
	s11 =	sand.u32 $0x1FFFFFF0, s13;
	s13 =	spop (v2sf)  }
0xb8: {  	[tilespmem:s9], [sflag:$0x2] =	stream.linear.gather [hbm4b:s2+s3], $0x80, $0x38;
	[tilespmem:$0x10200] =	vst v63  }
0xb9: {  	s2 =	sadd.s32 s4, s8;
	s8 =	sand.u32 $0x1FFFFFF0, s13;
	s9 =	spop (v2sf)  }
0xba: {  	[tilespmem:s7], [sflag:$0x2] =	stream.linear.gather [hbm4b:s2+s3], $0x80, $0x38;
	[tilespmem:$0x10200] =	vst v63  }
0xbb: {  	s2 =	sadd.s32 s4, s11;
	s7 =	sand.u32 $0x1FFFFFF0, s9;
	s9 =	spop (v2sf)  }
0xbc: {  	[tilespmem:s19], [sflag:$0x2] =	stream.linear.gather [hbm4b:s2+s3], $0x80, $0x38;
	[tilespmem:$0x10200] =	vst v63  }
0xbd: {  	s2 =	sadd.s32 s4, s8;
	s8 =	sand.u32 $0x1FFFFFF0, s9;
	s9 =	spop (v2sf)  }
0xbe: {  	[tilespmem:s0], [sflag:$0x2] =	stream.linear.gather [hbm4b:s2+s3], $0x80, $0x38;
	[tilespmem:$0x10200] =	vst v63  }
0xbf: {  	s0 =	sadd.s32 s4, s7;
	s2 =	sand.u32 $0x1FFFFFF0, s9;
	s7 =	spop (v2sf)  }
0xc0: {  	[tilespmem:s1], [sflag:$0x2] =	stream.linear.gather [hbm4b:s0+s3], $0x80, $0x38;
	[tilespmem:$0x10200] =	vst v63  }
0xc1: {  	s0 =	sadd.s32 s4, s8;
	s1 =	sand.u32 $0x1FFFFFF0, s7;
	s7 =	spop (v2sf)  }
0xc2: {  	[tilespmem:s30], [sflag:$0x2] =	stream.linear.gather [hbm4b:s0+s3], $0x80, $0x38;
	[tilespmem:$0x10200] =	vst v63  }
0xc3: {  	s0 =	sadd.s32 s4, s2;
	s2 =	sand.u32 $0x1FFFFFF0, s7  }
0xc4: {  	[tilespmem:s31], [sflag:$0x2] =	stream.linear.gather [hbm4b:s0+s3], $0x80, $0x38;
	[tilespmem:$0x10200] =	vst v63  }
0xc5: {  	s1 =	sadd.s32 s4, s1;
	s0 =	sadd.s32 $0x8900, s25  }
0xc6: {  	[tilespmem:s0], [sflag:$0x2] =	stream.linear.gather [hbm4b:s1+s3], $0x80, $0x38;
	[tilespmem:$0x10200] =	vst v63  }
0xc7: {  	s0 =	sadd.s32 $0x8980, s25;
	s1 =	sadd.s32 s4, s2  }
0xc8: {  	[tilespmem:s0], [sflag:$0x2] =	stream.linear.gather [hbm4b:s1+s3], $0x80, $0x38;
	[tilespmem:$0x10200] =	vst v63  }
0xc9: {  	v0 =	vld [tilespmem:s26+$0x0];
	_ =	sdelay $0x4  }
0xca: {  	v0 =	vshll.u32 v0, $0x4  }
0xcb: {  	(v2sf) =	vpush v0, $0x0  }
0xcc: {  	(v2sf) =	vpush v0, $0x1  }
0xcd: {  	(v2sf) =	vpush v0, $0x2;
	_ =	sdelay $0x1  }
0xce: {  	(v2sf) =	vpush v0, $0x4  }
.Ltmp5:
0xcf: {  	(pc) =	sbr.rel @p0 .LBB2_5-.Ltmp5, $3  }
0xd0: {  	(v2sf) =	vpush v0, $0x3  }
0xd1: {  	(v2sf) =	vpush v0, $0x5;
	_ =	sdelay $0x1  }
0xd2: {  	s25 =	sshra.s32 s29, $0x2;
	(v2sf) =	vpush v0, $0x6  }
0xd3: {  	_ =	sdelay $0x5  }
0xd4: {  	s0 =	spop (v2sf)  }
0xd5: {  	s1 =	spop (v2sf)  }
0xd6: {  	s7 =	spop (v2sf)  }
0xd7: {  	s11 =	spop (v2sf);
	(v2sf) =	vpush v0, $0x7  }
0xd8: {  	s0 =	sand.u32 $0x1FFFFFF0, s0  }
0xd9: {  	s2 =	sadd.s32 $0x8200, s25;
	s0 =	sadd.s32 s4, s0  }
0xda: {  	[tilespmem:s2], [sflag:$0x2] =	stream.linear.gather [hbm4b:s0+s3], $0x80, $0x38;
	[tilespmem:$0x10200] =	vst v63  }
0xdb: {  	s1 =	sand.u32 $0x1FFFFFF0, s1;
	s13 =	spop (v2sf);
	(v2sf) =	vpush v0, $0x8  }
0xdc: {  	s2 =	sadd.s32 $0x8280, s25;
	s1 =	sadd.s32 s4, s1  }
0xdd: {  	[tilespmem:s2], [sflag:$0x2] =	stream.linear.gather [hbm4b:s1+s3], $0x80, $0x38;
	[tilespmem:$0x10200] =	vst v63  }
0xde: {  	s8 =	sand.u32 $0x1FFFFFF0, s7;
	s18 =	spop (v2sf);
	(v2sf) =	vpush v0, $0x9  }
0xdf: {  	s9 =	sadd.s32 $0x8300, s25;
	s0 =	sadd.s32 s4, s8  }
0xe0: {  	[tilespmem:s9], [sflag:$0x2] =	stream.linear.gather [hbm4b:s0+s3], $0x80, $0x38;
	[tilespmem:$0x10200] =	vst v63  }
0xe1: {  	s0 =	sand.u32 $0x1FFFFFF0, s13;
	s20 =	spop (v2sf);
	(v2sf) =	vpush v0, $0xA  }
0xe2: {  	s14 =	sadd.s32 $0x8380, s25;
	s15 =	sand.u32 $0x1FFFFFF0, s11;
	s0 =	sadd.s32 s4, s0  }
0xe3: {  	[tilespmem:s14], [sflag:$0x2] =	stream.linear.gather [hbm4b:s0+s3], $0x80, $0x38;
	[tilespmem:$0x10200] =	vst v63  }
0xe4: {  	s17 =	sadd.s32 $0x8400, s25;
	s0 =	sadd.s32 s4, s15  }
0xe5: {  	[tilespmem:s17], [sflag:$0x2] =	stream.linear.gather [hbm4b:s0+s3], $0x80, $0x38;
	[tilespmem:$0x10200] =	vst v63  }
0xe6: {  	s0 =	sand.u32 $0x1FFFFFF0, s18;
	s28 =	spop (v2sf);
	(v2sf) =	vpush v0, $0xB  }
0xe7: {  	s19 =	sadd.s32 $0x8480, s25;
	s0 =	sadd.s32 s4, s0  }
0xe8: {  	[tilespmem:s19], [sflag:$0x2] =	stream.linear.gather [hbm4b:s0+s3], $0x80, $0x38;
	[tilespmem:$0x10200] =	vst v63  }
0xe9: {  	s0 =	sand.u32 $0x1FFFFFF0, s20  }
0xea: {  	s26 =	sadd.s32 $0x8500, s25;
	s0 =	sadd.s32 s4, s0;
	s30 =	spop (v2sf);
	(v2sf) =	vpush v0, $0xC  }
0xeb: {  	[tilespmem:s26], [sflag:$0x2] =	stream.linear.gather [hbm4b:s0+s3], $0x80, $0x38;
	[tilespmem:$0x10200] =	vst v63  }
0xec: {  	s0 =	sand.u32 $0x1FFFFFF0, s28  }
0xed: {  	s29 =	sadd.s32 $0x8580, s25;
	s0 =	sadd.s32 s4, s0;
	s1 =	spop (v2sf);
	(v2sf) =	vpush v0, $0xD  }
0xee: {  	[tilespmem:s29], [sflag:$0x2] =	stream.linear.gather [hbm4b:s0+s3], $0x80, $0x38;
	[tilespmem:$0x10200] =	vst v63  }
0xef: {  	s0 =	sand.u32 $0x1FFFFFF0, s30  }
0xf0: {  	s31 =	sadd.s32 $0x8600, s25;
	s0 =	sadd.s32 s4, s0;
	s7 =	spop (v2sf);
	(v2sf) =	vpush v0, $0xE  }
0xf1: {  	[tilespmem:s31], [sflag:$0x2] =	stream.linear.gather [hbm4b:s0+s3], $0x80, $0x38;
	[tilespmem:$0x10200] =	vst v63  }
0xf2: {  	s0 =	sand.u32 $0x1FFFFFF0, s1  }
0xf3: {  	s2 =	sadd.s32 $0x8680, s25;
	s0 =	sadd.s32 s4, s0  }
0xf4: {  	[tilespmem:s2], [sflag:$0x2] =	stream.linear.gather [hbm4b:s0+s3], $0x80, $0x38;
	[tilespmem:$0x10200] =	vst v63  }
0xf5: {  	s0 =	sand.u32 $0x1FFFFFF0, s7;
	s9 =	spop (v2sf);
	(v2sf) =	vpush v0, $0xF  }
0xf6: {  	s8 =	sadd.s32 $0x8700, s25;
	s0 =	sadd.s32 s4, s0  }
0xf7: {  	[tilespmem:s8], [sflag:$0x2] =	stream.linear.gather [hbm4b:s0+s3], $0x80, $0x38;
	[tilespmem:$0x10200] =	vst v63  }
0xf8: {  	s0 =	sand.u32 $0x1FFFFFF0, s9  }
0xf9: {  	s11 =	sadd.s32 $0x8780, s25;
	s0 =	sadd.s32 s4, s0;
	s13 =	spop (v2sf)  }
0xfa: {  	[tilespmem:s11], [sflag:$0x2] =	stream.linear.gather [hbm4b:s0+s3], $0x80, $0x38;
	[tilespmem:$0x10200] =	vst v63  }
0xfb: {  	s0 =	sand.u32 $0x1FFFFFF0, s13  }
0xfc: {  	s14 =	sadd.s32 $0x8800, s25;
	s15 =	spop (v2sf);
	s0 =	sadd.s32 s4, s0  }
0xfd: {  	[tilespmem:s14], [sflag:$0x2] =	stream.linear.gather [hbm4b:s0+s3], $0x80, $0x38;
	[tilespmem:$0x10200] =	vst v63  }
0xfe: {  	s0 =	sand.u32 $0x1FFFFFF0, s15  }
0xff: {  	s17 =	sadd.s32 $0x8880, s25;
	s18 =	spop (v2sf);
	s0 =	sadd.s32 s4, s0  }
0x100: {  	[tilespmem:s17], [sflag:$0x2] =	stream.linear.gather [hbm4b:s0+s3], $0x80, $0x38;
	[tilespmem:$0x10200] =	vst v63  }
0x101: {  	s0 =	sand.u32 $0x1FFFFFF0, s18  }
0x102: {  	s19 =	sadd.s32 $0x8900, s25;
	s0 =	sadd.s32 s4, s0  }
0x103: {  	[tilespmem:s19], [sflag:$0x2] =	stream.linear.gather [hbm4b:s0+s3], $0x80, $0x38;
	[tilespmem:$0x10200] =	vst v63  }
0x104: {  	s20 =	spop (v2sf)  }
0x105: {  	s26 =	sadd.s32 s5, s24;
	s0 =	sand.u32 $0x1FFFFFF0, s20  }
0x106: {  	s25 =	sadd.s32 $0x8980, s25;
	s28 =	sand.u32 $0x2, s26;
	s0 =	sadd.s32 s4, s0  }
0x107: {  	[tilespmem:s25], [sflag:$0x2] =	stream.linear.gather [hbm4b:s0+s3], $0x80, $0x38;
	[tilespmem:$0x10200] =	vst v63  }
0x108: {  	s1 =	smul.u32 $0xC80000, s28;
	s0 =	sshll.u32 s26, $0x5  }
0x109: {  	p0 =	seq.s32 s21, $0x18;
	s29 =	sand.u32 $0x7FFFFC00, s0  }
.Ltmp6:
0x10a: {  	s0 =	sand.u32 $0x380, s0;
	s1 =	sadd.s32 s29, s1;
	(pc) =	sbr.rel @p0 .LBB2_10-.Ltmp6, $4  }
0x10b: {  	s30 =	simm.s32 $0x80;
	_ =	swait.ge [sflag:s12], $0x8000;
	s0 =	sor.u32 s0, s1  }
0x10c: {  	s31 =	simm.s32 $0xC800;
	[sflag:s12] =	ssyncset.done $0x0;
	s0 =	sshrl.u32 s0, $0x3  }
0x10d: {  	s7 =	simm.s32 $0x200;
	[sflag:s12] =	ssyncadd.s32 $0xFFFF8000;
	s0 =	sadd.s32 s6, s0  }
0x10e: {  	[hbm4b:s0+s30] =	stream.strided.scatter [tilespmem:s7], [sflag:$0x3], $0x8000, s31, s30, $0x38;
	[tilespmem:$0x10200] =	vst v63  }
0x10f: {  	s0 =	rddreg [dreg:$0x4]  }
0x110: {  	s0 =	sadd.s32 s24, s0  }
0x111: {  	s0 =	sshll.u32 s0, $0x5  }
0x112: {  	s1 =	rddreg [dreg:$0x1];
	s0 =	sand.u32 $0xFFFFFC0, s0  }
0x113: {  	s25 =	simm.s32 $0x0;
	s0 =	sadd.s32 s1, s0  }
0x114: {  	[tilespmem:s25], [sflag:$0x5] =	stream.linear.gather [hbm4b:s0+s25], $0x100, $0x38;
	[tilespmem:$0x10200] =	vst v63  }
0x115: {  	_ =	swait.ge [sflag:s10], $0x100  }
0x116: {  	[sflag:s10] =	ssyncset.done $0x0  }
0x117: {  	s31 =	simm.s32 $0x3;
	[sflag:s10] =	ssyncadd.s32 $0xFFFFFF00  }
0x118: {  	_ =	swait.ge [sflag:s31], $0x8000  }
0x119: {  	[sflag:s31] =	ssyncset.done $0x0  }
0x11a: {  	[sflag:s31] =	ssyncadd.s32 $0xFFFF8000  }
0x11b: {  	v0 =	vld [tilespmem:s25+$0x0];
	_ =	sdelay $0x4  }
0x11c: {  	v0 =	vshll.u32 v0, $0x4  }
0x11d: {  	(v2sf) =	vpush v0, $0x0  }
0x11e: {  	(v2sf) =	vpush v0, $0x1  }
0x11f: {  	(v2sf) =	vpush v0, $0x2;
	_ =	sdelay $0x1  }
0x120: {  	(v2sf) =	vpush v0, $0x4;
	_ =	sdelay $0x1  }
0x121: {  	(v2sf) =	vpush v0, $0x3  }
0x122: {  	(v2sf) =	vpush v0, $0x5  }
0x123: {  	s26 =	simm.s32 $0x2000;
	s24 =	simm.s32 $0x0;
	(v2sf) =	vpush v0, $0x6  }
.LBB2_8:
0x124: {  	p0 =	sne.s32 s26, $0x1E000  }
0x125: {  	s2 =	sadd.s32 $0x280, s24;
	s1 =	sadd.s32 $0x780, s24;
	s28 =	smov.u32 s26  }
0x126: {  	s26 =	sadd.s32 $0x2000, s26;
	s9 =	sadd.s32 $0x580, s24;
	s29 =	sadd.s32 $0x800, s24;
	(v2sf) =	vpush v0, $0x7  }
0x127: {  	s20 =	sadd.s32 $0x480, s24;
	s7 =	sadd.s32 $0x600, s24;
	s30 =	sadd.s32 $0x880, s24  }
0x128: {  	s8 =	sadd.s32 $0x200, s24;
	s11 =	sadd.s32 $0x400, s24;
	(v2sf) =	vpush v0, $0x8  }
0x129: {  	s13 =	sadd.s32 $0x500, s24;
	s25 =	sadd.s32 $0x10, s25  }
0x12a: {  	s14 =	sadd.s32 $0x300, s24;
	s0 =	sadd.s32 $0x700, s24;
	s15 =	spop (v2sf);
	(v2sf) =	vpush v0, $0x9  }
0x12b: {  	s19 =	sadd.s32 $0x680, s24;
	s15 =	sand.u32 $0x1FFFFFF0, s15;
	s17 =	spop (v2sf)  }
0x12c: {  	s15 =	sadd.s32 s4, s15;
	s17 =	sand.u32 $0x1FFFFFF0, s17;
	s18 =	spop (v2sf);
	(v2sf) =	vpush v0, $0xA  }
0x12d: {  	[tilespmem:s8], [sflag:$0x1] =	stream.linear.gather [hbm4b:s15+s3], $0x80, $0x38;
	[tilespmem:$0x10200] =	vst v63  }
0x12e: {  	s8 =	sadd.s32 s4, s17;
	s15 =	sadd.s32 $0x380, s24;
	s17 =	spop (v2sf);
	(v2sf) =	vpush v0, $0xB  }
0x12f: {  	[tilespmem:s2], [sflag:$0x1] =	stream.linear.gather [hbm4b:s8+s3], $0x80, $0x38;
	[tilespmem:$0x10200] =	vst v63  }
0x130: {  	s2 =	sand.u32 $0x1FFFFFF0, s18;
	s8 =	sand.u32 $0x1FFFFFF0, s17;
	s17 =	spop (v2sf);
	(v2sf) =	vpush v0, $0xC  }
0x131: {  	s2 =	sadd.s32 s4, s2;
	s17 =	sand.u32 $0x1FFFFFF0, s17;
	s18 =	spop (v2sf)  }
0x132: {  	[tilespmem:s14], [sflag:$0x1] =	stream.linear.gather [hbm4b:s2+s3], $0x80, $0x38;
	(v2sf) =	vpush v0, $0xD;
	[tilespmem:$0x10200] =	vst v63  }
0x133: {  	s2 =	sadd.s32 s4, s17;
	s14 =	sand.u32 $0x1FFFFFF0, s18;
	s17 =	spop (v2sf)  }
0x134: {  	[tilespmem:s15], [sflag:$0x1] =	stream.linear.gather [hbm4b:s2+s3], $0x80, $0x38;
	(v2sf) =	vpush v0, $0xE;
	[tilespmem:$0x10200] =	vst v63  }
0x135: {  	s2 =	sadd.s32 s4, s8;
	s8 =	sand.u32 $0x1FFFFFF0, s17;
	s15 =	spop (v2sf)  }
0x136: {  	[tilespmem:s11], [sflag:$0x1] =	stream.linear.gather [hbm4b:s2+s3], $0x80, $0x38;
	(v2sf) =	vpush v0, $0xF;
	[tilespmem:$0x10200] =	vst v63  }
0x137: {  	s2 =	sadd.s32 s4, s14;
	s11 =	sand.u32 $0x1FFFFFF0, s15;
	s14 =	spop (v2sf)  }
0x138: {  	[tilespmem:s20], [sflag:$0x1] =	stream.linear.gather [hbm4b:s2+s3], $0x80, $0x38;
	[tilespmem:$0x10200] =	vst v63  }
0x139: {  	s2 =	sadd.s32 s4, s8;
	s8 =	sand.u32 $0x1FFFFFF0, s14;
	s14 =	spop (v2sf)  }
0x13a: {  	[tilespmem:s13], [sflag:$0x1] =	stream.linear.gather [hbm4b:s2+s3], $0x80, $0x38;
	[tilespmem:$0x10200] =	vst v63  }
0x13b: {  	s2 =	sadd.s32 s4, s11;
	s11 =	sand.u32 $0x1FFFFFF0, s14;
	s13 =	spop (v2sf)  }
0x13c: {  	[tilespmem:s9], [sflag:$0x1] =	stream.linear.gather [hbm4b:s2+s3], $0x80, $0x38;
	[tilespmem:$0x10200] =	vst v63  }
0x13d: {  	s2 =	sadd.s32 s4, s8;
	s8 =	sand.u32 $0x1FFFFFF0, s13;
	s9 =	spop (v2sf)  }
0x13e: {  	[tilespmem:s7], [sflag:$0x1] =	stream.linear.gather [hbm4b:s2+s3], $0x80, $0x38;
	[tilespmem:$0x10200] =	vst v63  }
0x13f: {  	s2 =	sadd.s32 s4, s11;
	s7 =	sand.u32 $0x1FFFFFF0, s9;
	s9 =	spop (v2sf)  }
0x140: {  	[tilespmem:s19], [sflag:$0x1] =	stream.linear.gather [hbm4b:s2+s3], $0x80, $0x38;
	[tilespmem:$0x10200] =	vst v63  }
0x141: {  	s2 =	sadd.s32 s4, s8;
	s8 =	sand.u32 $0x1FFFFFF0, s9;
	s9 =	spop (v2sf)  }
0x142: {  	[tilespmem:s0], [sflag:$0x1] =	stream.linear.gather [hbm4b:s2+s3], $0x80, $0x38;
	[tilespmem:$0x10200] =	vst v63  }
0x143: {  	s0 =	sadd.s32 s4, s7;
	s2 =	sand.u32 $0x1FFFFFF0, s9;
	s7 =	spop (v2sf)  }
0x144: {  	[tilespmem:s1], [sflag:$0x1] =	stream.linear.gather [hbm4b:s0+s3], $0x80, $0x38;
	[tilespmem:$0x10200] =	vst v63  }
0x145: {  	s0 =	sadd.s32 s4, s8;
	s1 =	sand.u32 $0x1FFFFFF0, s7;
	s7 =	spop (v2sf)  }
0x146: {  	[tilespmem:s29], [sflag:$0x1] =	stream.linear.gather [hbm4b:s0+s3], $0x80, $0x38;
	[tilespmem:$0x10200] =	vst v63  }
0x147: {  	s0 =	sadd.s32 s4, s2;
	s2 =	sand.u32 $0x1FFFFFF0, s7  }
0x148: {  	[tilespmem:s30], [sflag:$0x1] =	stream.linear.gather [hbm4b:s0+s3], $0x80, $0x38;
	[tilespmem:$0x10200] =	vst v63  }
0x149: {  	s1 =	sadd.s32 s4, s1;
	s0 =	sadd.s32 $0x900, s24  }
0x14a: {  	[tilespmem:s0], [sflag:$0x1] =	stream.linear.gather [hbm4b:s1+s3], $0x80, $0x38;
	[tilespmem:$0x10200] =	vst v63  }
0x14b: {  	s0 =	sadd.s32 $0x980, s24;
	s1 =	sadd.s32 s4, s2  }
0x14c: {  	[tilespmem:s0], [sflag:$0x1] =	stream.linear.gather [hbm4b:s1+s3], $0x80, $0x38;
	[tilespmem:$0x10200] =	vst v63  }
0x14d: {  	v0 =	vld [tilespmem:s25+$0x0];
	_ =	sdelay $0x4  }
0x14e: {  	v0 =	vshll.u32 v0, $0x4  }
0x14f: {  	(v2sf) =	vpush v0, $0x0  }
0x150: {  	(v2sf) =	vpush v0, $0x1  }
0x151: {  	(v2sf) =	vpush v0, $0x2;
	_ =	sdelay $0x1  }
0x152: {  	(v2sf) =	vpush v0, $0x4  }
.Ltmp7:
0x153: {  	(pc) =	sbr.rel @p0 .LBB2_8-.Ltmp7, $3  }
0x154: {  	(v2sf) =	vpush v0, $0x3  }
0x155: {  	(v2sf) =	vpush v0, $0x5;
	_ =	sdelay $0x1  }
0x156: {  	s24 =	sshra.s32 s28, $0x2;
	(v2sf) =	vpush v0, $0x6  }
0x157: {  	_ =	sdelay $0x2  }
0x158: {  	s2 =	sadd.s32 $0x280, s24;
	s7 =	sadd.s32 $0x780, s24;
	s8 =	sadd.s32 $0x580, s24;
	(v2sf) =	vpush v0, $0x7  }
0x159: {  	s9 =	sadd.s32 $0x480, s24;
	s11 =	sadd.s32 $0x600, s24;
	s13 =	sadd.s32 $0x200, s24  }
0x15a: {  	s14 =	sadd.s32 $0x400, s24;
	s15 =	sadd.s32 $0x500, s24;
	(v2sf) =	vpush v0, $0x8;
	s17 =	spop (v2sf)  }
0x15b: {  	s18 =	sadd.s32 $0x300, s24;
	s17 =	sand.u32 $0x1FFFFFF0, s17;
	s19 =	spop (v2sf)  }
0x15c: {  	(v2sf) =	vpush v0, $0x9;
	s17 =	sadd.s32 s4, s17;
	s19 =	sand.u32 $0x1FFFFFF0, s19;
	s20 =	spop (v2sf)  }
0x15d: {  	[tilespmem:s13], [sflag:$0x1] =	stream.linear.gather [hbm4b:s17+s3], $0x80, $0x38;
	[tilespmem:$0x10200] =	vst v63  }
0x15e: {  	s25 =	sadd.s32 $0x380, s24;
	(v2sf) =	vpush v0, $0xA;
	s30 =	sadd.s32 s4, s19;
	s31 =	spop (v2sf)  }
0x15f: {  	[tilespmem:s2], [sflag:$0x1] =	stream.linear.gather [hbm4b:s30+s3], $0x80, $0x38;
	[tilespmem:$0x10200] =	vst v63  }
0x160: {  	s13 =	sadd.s32 $0x700, s24;
	s20 =	sand.u32 $0x1FFFFFF0, s20;
	(v2sf) =	vpush v0, $0xB;
	s26 =	spop (v2sf)  }
0x161: {  	s17 =	sadd.s32 s4, s20;
	s2 =	sadd.s32 $0x680, s24;
	s20 =	sand.u32 $0x1FFFFFF0, s26  }
0x162: {  	(v2sf) =	vpush v0, $0xC;
	[tilespmem:s18], [sflag:$0x1] =	stream.linear.gather [hbm4b:s17+s3], $0x80, $0x38;
	[tilespmem:$0x10200] =	vst v63  }
0x163: {  	s28 =	sand.u32 $0x1FFFFFF0, s31;
	s29 =	spop (v2sf);
	s30 =	sadd.s32 s4, s20  }
0x164: {  	(v2sf) =	vpush v0, $0xD;
	[tilespmem:s25], [sflag:$0x1] =	stream.linear.gather [hbm4b:s30+s3], $0x80, $0x38;
	[tilespmem:$0x10200] =	vst v63  }
0x165: {  	s17 =	sadd.s32 s4, s28;
	s18 =	sand.u32 $0x1FFFFFF0, s29;
	s31 =	spop (v2sf)  }
0x166: {  	[tilespmem:s14], [sflag:$0x1] =	stream.linear.gather [hbm4b:s17+s3], $0x80, $0x38;
	[tilespmem:$0x10200] =	vst v63  }
0x167: {  	s18 =	sadd.s32 s4, s18;
	s19 =	sand.u32 $0x1FFFFFF0, s31;
	s20 =	spop (v2sf)  }
0x168: {  	(v2sf) =	vpush v0, $0xE;
	[tilespmem:s9], [sflag:$0x1] =	stream.linear.gather [hbm4b:s18+s3], $0x80, $0x38;
	[tilespmem:$0x10200] =	vst v63  }
0x169: {  	s25 =	sand.u32 $0x1FFFFFF0, s20;
	s26 =	spop (v2sf);
	s14 =	sadd.s32 s4, s19  }
0x16a: {  	(v2sf) =	vpush v0, $0xF;
	[tilespmem:s15], [sflag:$0x1] =	stream.linear.gather [hbm4b:s14+s3], $0x80, $0x38;
	[tilespmem:$0x10200] =	vst v63  }
0x16b: {  	s28 =	sand.u32 $0x1FFFFFF0, s26;
	s9 =	sadd.s32 s4, s25;
	s29 =	spop (v2sf)  }
0x16c: {  	[tilespmem:s8], [sflag:$0x1] =	stream.linear.gather [hbm4b:s9+s3], $0x80, $0x38;
	[tilespmem:$0x10200] =	vst v63  }
0x16d: {  	s14 =	sadd.s32 s4, s28;
	s30 =	sand.u32 $0x1FFFFFF0, s29;
	s31 =	spop (v2sf)  }
0x16e: {  	[tilespmem:s11], [sflag:$0x1] =	stream.linear.gather [hbm4b:s14+s3], $0x80, $0x38;
	[tilespmem:$0x10200] =	vst v63  }
0x16f: {  	s9 =	sand.u32 $0x1FFFFFF0, s31;
	s8 =	sadd.s32 s4, s30;
	s15 =	spop (v2sf)  }
0x170: {  	[tilespmem:s2], [sflag:$0x1] =	stream.linear.gather [hbm4b:s8+s3], $0x80, $0x38;
	[tilespmem:$0x10200] =	vst v63  }
0x171: {  	s9 =	sadd.s32 s4, s9;
	s17 =	sand.u32 $0x1FFFFFF0, s15;
	s18 =	spop (v2sf)  }
0x172: {  	[tilespmem:s13], [sflag:$0x1] =	stream.linear.gather [hbm4b:s9+s3], $0x80, $0x38;
	[tilespmem:$0x10200] =	vst v63  }
0x173: {  	s2 =	sadd.s32 s4, s17;
	s8 =	sand.u32 $0x1FFFFFF0, s18;
	s19 =	spop (v2sf)  }
0x174: {  	[tilespmem:s7], [sflag:$0x1] =	stream.linear.gather [hbm4b:s2+s3], $0x80, $0x38;
	[tilespmem:$0x10200] =	vst v63  }
0x175: {  	s0 =	sadd.s32 $0x800, s24;
	s20 =	sand.u32 $0x1FFFFFF0, s19;
	s8 =	sadd.s32 s4, s8  }
0x176: {  	[tilespmem:s0], [sflag:$0x1] =	stream.linear.gather [hbm4b:s8+s3], $0x80, $0x38;
	[tilespmem:$0x10200] =	vst v63  }
0x177: {  	s1 =	sadd.s32 $0x880, s24;
	s25 =	spop (v2sf);
	s2 =	sadd.s32 s4, s20  }
0x178: {  	[tilespmem:s1], [sflag:$0x1] =	stream.linear.gather [hbm4b:s2+s3], $0x80, $0x38;
	[tilespmem:$0x10200] =	vst v63  }
.Ltmp8:
0x179: {  	s26 =	sand.u32 $0x1FFFFFF0, s25;
	s28 =	spop (v2sf);
	(pc) =	sbr.rel .LBB2_10-.Ltmp8, $4  }
0x17a: {  	s30 =	sadd.s32 $0x900, s24;
	s29 =	sand.u32 $0x1FFFFFF0, s28;
	s0 =	sadd.s32 s4, s26  }
0x17b: {  	[tilespmem:s30], [sflag:$0x1] =	stream.linear.gather [hbm4b:s0+s3], $0x80, $0x38;
	[tilespmem:$0x10200] =	vst v63  }
0x17c: {  	s31 =	sadd.s32 $0x980, s24;
	s1 =	sadd.s32 s4, s29  }
0x17d: {  	[tilespmem:s31], [sflag:$0x1] =	stream.linear.gather [hbm4b:s1+s3], $0x80, $0x38;
	[tilespmem:$0x10200] =	vst v63  }
.LBB2_12:
0x17e: {  	_ =	sfence.sel $0x180000  }
0x17f: {  	[bflag:$0x0] =	sbarrier.arrive $0xFFFF  }
0x180: {  	_ =	strace $0x90000047  }
0x181: {  	s0 =	stileid.u32;
	[bflag:$0x2] =	sbarrier.arrive $0xFFFF  }
0x182: {  	p0 =	sne.s32 s0, $0x0;
	s0 =	rddreg [dreg:$0x2]  }
0x183: {  	s0 =	sadd.s32 @!p0 $0x100000, s0  }
0x184: {  	[sflag:s0] =	ssyncadd.tile.s32 @!p0 $0x1;
	_ =	shalt  }
.Lfunc_end2:
_tile_overlayer_lowered:
.L_overlay_start_2:
0x185: {  	(tag) =	ssettag $0x2  }
0x186: {  	s0 =	rddreg [dreg:$0x0];
	s2 =	stileid.u32  }
0x187: {  	s1 =	rddreg [dreg:$0x1];
	p0 =	sne.s32 s2, $0x0  }
0x188: {  	s3 =	rddreg [dreg:$0x2];
	[bflag:$0x3] =	sbarrier.arrive $0xFFFF;
	s2 =	simm.s32 @!p0 $0x1C05  }
0x189: {  	[timem:s3], [sflag:s2] =	dma.local @!p0 [hbm:s0], s1  }
0x18a: {  	s0 =	simm.s32 @!p0 $0x5  }
0x18b: {  	_ =	swait.ge @!p0 [sflag:s0], s1  }
0x18c: {  	s1 =	ssub.s32 @!p0 $0x0, s1;
	[sflag:s0] =	ssyncset.done @!p0 $0x0  }
0x18d: {  	[sflag:s0] =	ssyncadd.s32 @!p0 s1  }
0x18e: {  	[bflag:$0x3] =	sbarrier.arrive $0xFFFF  }
0x18f: {  	_ =	shalt  }

</sc_bundles>
